<compile_context>
chip_gen: v7x
topology: tpu7x:2x2x1
jax: 0.10.2.dev20260603
libtpu: 0.0.44.dev20260713+nightly
codegen_flags: <defaults>
</compile_context>

<pallas_src>
import functools

import jax
import jax.numpy as jnp
import numpy as np
from jax import lax
from jax.experimental import pallas as pl
from jax.experimental.pallas import tpu as pltpu
from jax.experimental.pallas import tpu_sc as plsc

_OFFS = ((-1, 1), (0, 1), (1, 1), (1, 0), (1, -1), (0, -1), (-1, -1), (-1, 0))
_H = 512
_W = 512
_T = _H * _W
_N = 8

_NTEC = 32
_SLICES = _NTEC // _N
_SLICE = _T // _SLICES
_UNROLL = 16
_NCHUNK = 8
_CHUNK = _SLICE // _NCHUNK


def _lbp_body(img_ref, out_ref, code_ref):
    x = img_ref[0]
    gray = 0.299 * x[0] + 0.587 * x[1] + 0.114 * x[2]
    g = gray.astype(jnp.bfloat16)
    xv = [
        jnp.pad(g, ((1, 1), (1, 0)))[:, :_W],
        jnp.pad(g, ((1, 1), (0, 0))),
        jnp.pad(g, ((1, 1), (0, 1)))[:, 1:],
    ]
    code = jnp.zeros((_H, _W), jnp.bfloat16)
    for k, (dy, dx) in enumerate(_OFFS):
        nb = jax.lax.slice(xv[dx + 1], (1 + dy, 0), (1 + dy + _H, _W))
        code = code + jnp.where(nb - g >= 0.0, jnp.bfloat16(2 ** k),
                                jnp.bfloat16(0.0))

    code = code.astype(jnp.float32)
    code_ref[0] = code.reshape(_T // 128, 128)

    s1 = jnp.sum(code)
    s2 = jnp.sum(code * code)
    mean2 = s1 / np.float32(_T)
    var2 = (s2 - mean2 * s1) / np.float32(_T - 1)
    out_ref[0, 0] = (code - mean2) * jax.lax.rsqrt(var2)


def _sc_hist_body(codes_hbm, out_hbm, buf0, buf1, hist, acc, sem0, sem1):
    c = lax.axis_index("c")
    s = lax.axis_index("s")
    wid = s * 2 + c
    n = wid % _N
    sl = wid // _N
    base = n * _T + sl * _SLICE

    bufs = (buf0, buf1)
    sems = (sem0, sem1)
    copies = [None, None]
    copies[0] = pltpu.async_copy(
        codes_hbm.at[pl.ds(base, _CHUNK)], buf0, sem0)

    zeros = jnp.zeros((16,), jnp.float32)
    lanes = lax.iota(jnp.int32, 16)
    ones = jnp.ones((16,), jnp.float32)

    @plsc.parallel_loop(0, 256, 1, unroll=4)
    def _zero(j):
        hist[pl.ds(j * 16, 16)] = zeros

    for k in range(_NCHUNK):
        if k + 1 < _NCHUNK:
            copies[(k + 1) % 2] = pltpu.async_copy(
                codes_hbm.at[pl.ds(base + (k + 1) * _CHUNK, _CHUNK)],
                bufs[(k + 1) % 2], sems[(k + 1) % 2])
        copies[k % 2].wait()
        cur = bufs[k % 2]

        @plsc.parallel_loop(0, _CHUNK // 16, 1, unroll=_UNROLL)
        def _scatter(i):
            v = cur[pl.ds(i * 16, 16)].astype(jnp.int32)
            idx = v * 16 + lanes
            plsc.addupdate_scatter(hist, [idx], ones)

    @plsc.parallel_loop(0, 16, 1, unroll=2)
    def _reduce(j):
        a = jnp.zeros((16,), jnp.float32)
        for b in range(16):
            s = jnp.sum(hist[pl.ds((j * 16 + b) * 16, 16)])
            a = jnp.where(lanes == b, s, a)
        acc[pl.ds(j * 16, 16)] = a

    pltpu.sync_copy(acc, out_hbm.at[wid])


def _sc_hist(codes_flat):
    return pl.kernel(
        _sc_hist_body,
        out_type=jax.ShapeDtypeStruct((_NTEC, 256), jnp.float32),
        mesh=plsc.VectorSubcoreMesh(core_axis_name="c", subcore_axis_name="s",
                                    num_cores=2, num_subcores=16),
        scratch_types=[
            pltpu.VMEM((_CHUNK,), jnp.float32),
            pltpu.VMEM((_CHUNK,), jnp.float32),
            pltpu.VMEM((16 * 256,), jnp.float32),
            pltpu.VMEM((256,), jnp.float32),
            pltpu.SemaphoreType.DMA,
            pltpu.SemaphoreType.DMA,
        ],
        compiler_params=pltpu.CompilerParams(needs_layout_passes=False),
    )(codes_flat)


def _hist_norm_body(part_ref, hist_ref):
    h = part_ref[...].reshape(_SLICES, _N, 256).sum(axis=0)
    hmean = jnp.sum(h, axis=1, keepdims=True) / np.float32(256.0)
    hvar = jnp.sum((h - hmean) ** 2, axis=1, keepdims=True) / np.float32(255.0)
    hist_ref[...] = (h - hmean) * jax.lax.rsqrt(hvar)


def kernel(img):
    n = img.shape[0]
    out, codes = pl.pallas_call(
        _lbp_body,
        grid=(n,),
        in_specs=[pl.BlockSpec((1, 3, _H, _W), lambda i: (i, 0, 0, 0))],
        out_specs=[
            pl.BlockSpec((1, 1, _H, _W), lambda i: (i, 0, 0, 0)),
            pl.BlockSpec((1, _T // 128, 128), lambda i: (i, 0, 0)),
        ],
        out_shape=[
            jax.ShapeDtypeStruct((n, 1, _H, _W), jnp.float32),
            jax.ShapeDtypeStruct((n, _T // 128, 128), jnp.float32),
        ],
    )(img)

    parts = _sc_hist(codes.reshape(n * _T))

    hist = pl.pallas_call(
        _hist_norm_body,
        in_specs=[pl.BlockSpec((_NTEC, 256), lambda: (0, 0))],
        out_specs=pl.BlockSpec((_N, 256), lambda: (0, 0)),
        out_shape=jax.ShapeDtypeStruct((_N, 256), jnp.float32),
    )(parts)

    return hist, out

# --- scband reference (transcript-rebuilt; emitter-appended) ---
"""Pipeline reference for scband-lbpkernel-83906481095327 (READ-ONLY COPY).

The authoritative reference and input builder live on the scoring server;
editing this copy changes nothing except your own understanding.
"""

import jax, jax.numpy as jnp
import numpy as np

KW = np.array([
    [[[0,0,1],[0,-1,0],[0,0,0]]],
    [[[0,0,0],[0,-1,1],[0,0,0]]],
    [[[0,0,0],[0,-1,0],[0,0,1]]],
    [[[0,0,0],[0,-1,0],[0,1,0]]],
    [[[0,0,0],[0,-1,0],[1,0,0]]],
    [[[0,0,0],[1,-1,0],[0,0,0]]],
    [[[1,0,0],[0,-1,0],[0,0,0]]],
    [[[0,1,0],[0,-1,0],[0,0,0]]],
], dtype=np.float32)  # [8,1,3,3]
POW = np.array([1,2,4,8,16,32,64,128], dtype=np.float32).reshape(1,8,1,1)


def rgb2gray(img):
    # standard luminance conversion, keeps channel dim of size 1
    return 0.299*img[:, 0:1] + 0.587*img[:, 1:2] + 0.114*img[:, 2:3]


def setup_inputs(seed: int = 0) -> dict:
    key = jax.random.key(seed)
    img = jax.random.normal(key, (8, 3, 512, 512), dtype=jnp.float32)
    return {"img": img}


def reference(img):
    g = rgb2gray(img)
    out = jax.lax.conv_general_dilated(
        g, jnp.asarray(KW), window_strides=(1, 1),
        padding=((1, 1), (1, 1)),
        dimension_numbers=("NCHW", "OIHW", "NCHW"))
    out = jnp.where(out >= 0.0, 1.0, 0.0)
    out = out * jnp.asarray(POW)
    lbp_img = jnp.sum(out, axis=1).astype(jnp.float32)  # [N,H,W], values 0..255

    # histogram: count occurrences of each code 0..255 per image
    lbp_int = jnp.round(jax.lax.stop_gradient(lbp_img)).astype(jnp.int32)
    hist = jax.vmap(lambda v: jnp.bincount(v.reshape(-1), length=256))(lbp_int)
    lbp_hist = hist.astype(jnp.float32)

    mean = jnp.mean(lbp_hist, axis=1, keepdims=True)
    std = jnp.std(lbp_hist, axis=1, keepdims=True, ddof=1)  # torch.std is unbiased
    lbp_hist = (lbp_hist - mean) / std

    mean2 = jnp.mean(lbp_img, axis=(1, 2), keepdims=True)
    std2 = jnp.std(lbp_img, axis=(1, 2), keepdims=True, ddof=1)
    lbp_img = (lbp_img - mean2) / std2
    lbp_img = lbp_img[:, None, :, :]
    return (lbp_hist, lbp_img)

if __name__ == "__main__":
    import jax
    _d = setup_inputs()
    print(jax.jit(kernel)(*tuple(_d.values())))

</pallas_src>

<mosaic_0001>
#map = affine_map<(d0, d1) -> (0)>
#map1 = affine_map<(d0, d1) -> (0, 0)>
module attributes {stable_mosaic.version = 14 : i64} {
  func.func @_sc_hist_body(%arg0: i32, %arg1: i32, %arg2: memref<2097152xf32, #tpu.memory_space<hbm>>, %arg3: memref<32x256xf32, #tpu.memory_space<hbm>>, %arg4: memref<8192xf32, #tpu.memory_space<vmem>>, %arg5: memref<8192xf32, #tpu.memory_space<vmem>>, %arg6: memref<4096xf32, #tpu.memory_space<vmem>>, %arg7: memref<256xf32, #tpu.memory_space<vmem>>, %arg8: memref<!tpu.dma_semaphore, #tpu.memory_space<semaphore_mem>>, %arg9: memref<!tpu.dma_semaphore, #tpu.memory_space<semaphore_mem>>) attributes {dimension_semantics = [#tpu.dimension_semantics<core_parallel>, #tpu.dimension_semantics<subcore_parallel>], iteration_bounds = array<i64: 2, 16>, scalar_prefetch = 0 : i64, scratch_operands = 6 : i64, tpu.core_type = #tpu.core_type<sc_vector_subcore>, window_params = [{transform_indices = #map}, {transform_indices = #map1}]} {
    %mul3A = arith.constant 2 : i32
    %mul3A_0 = arith.muli %arg1, %mul3A : i32
    %add3A = arith.addi %mul3A_0, %arg0 : i32
    %jit3A = arith.constant 8 : i32
    %eq3A = arith.constant 0 : i32
    %eq3A_1 = arith.cmpi eq, %jit3A, %eq3A : i32
    %jit3A_2 = arith.constant 1 : i32
    %select_n3A = arith.select %eq3A_1, %jit3A_2, %jit3A : i32
    %rem3A = arith.remsi %add3A, %select_n3A : i32
    %ne3A = arith.constant 0 : i32
    %ne3A_3 = arith.cmpi ne, %rem3A, %ne3A : i32
    %lt3A = arith.constant 0 : i32
    %lt3A_4 = arith.cmpi slt, %rem3A, %lt3A : i32
    %lt3A_5 = arith.constant 0 : i32
    %lt3A_6 = arith.cmpi slt, %select_n3A, %lt3A_5 : i32
    %ne3A_7 = arith.xori %lt3A_4, %lt3A_6 : i1
    %and3A = arith.andi %ne3A_7, %ne3A_3 : i1
    %add3A_8 = arith.addi %rem3A, %select_n3A : i32
    %select_n3A_9 = arith.select %and3A, %add3A_8, %rem3A : i32
    %jit3A_10 = arith.constant 8 : i32
    %div3A = arith.divsi %add3A, %jit3A_10 : i32
    %sign3A = arith.constant 0 : i32
    %sign3A_11 = arith.cmpi sgt, %add3A, %sign3A : i32
    %sign3A_12 = arith.extui %sign3A_11 : i1 to i32
    %sign3A_13 = arith.constant 0 : i32
    %sign3A_14 = arith.cmpi slt, %add3A, %sign3A_13 : i32
    %sign3A_15 = arith.extui %sign3A_14 : i1 to i32
    %sign3A_16 = arith.subi %sign3A_12, %sign3A_15 : i32
    %sign3A_17 = arith.constant 0 : i32
    %sign3A_18 = arith.cmpi sgt, %jit3A_10, %sign3A_17 : i32
    %sign3A_19 = arith.extui %sign3A_18 : i1 to i32
    %sign3A_20 = arith.constant 0 : i32
    %sign3A_21 = arith.cmpi slt, %jit3A_10, %sign3A_20 : i32
    %sign3A_22 = arith.extui %sign3A_21 : i1 to i32
    %sign3A_23 = arith.subi %sign3A_19, %sign3A_22 : i32
    %ne3A_24 = arith.cmpi ne, %sign3A_16, %sign3A_23 : i32
    %rem3A_25 = arith.remsi %add3A, %jit3A_10 : i32
    %ne3A_26 = arith.constant 0 : i32
    %ne3A_27 = arith.cmpi ne, %rem3A_25, %ne3A_26 : i32
    %and3A_28 = arith.andi %ne3A_24, %ne3A_27 : i1
    %sub3A = arith.constant 1 : i32
    %sub3A_29 = arith.subi %div3A, %sub3A : i32
    %select_n3A_30 = arith.select %and3A_28, %sub3A_29, %div3A : i32
    %mul3A_31 = arith.constant 262144 : i32
    %mul3A_32 = arith.muli %select_n3A_9, %mul3A_31 : i32
    %mul3A_33 = arith.constant 65536 : i32
    %mul3A_34 = arith.muli %select_n3A_30, %mul3A_33 : i32
    %add3A_35 = arith.addi %mul3A_32, %mul3A_34 : i32
    %dma_start3A = tpu.memref_slice %arg2[%add3A_35] : memref<2097152xf32, #tpu.memory_space<hbm>> -> memref<8192xf32, #tpu.memory_space<hbm>>
    %dma_start3A_36 = tpu.memref_slice %arg2[%add3A_35] : memref<2097152xf32, #tpu.memory_space<hbm>> -> memref<8192xf32, #tpu.memory_space<hbm>>
    tpu.enqueue_dma source(%dma_start3A_36 : memref<8192xf32, #tpu.memory_space<hbm>>) target(%arg4 : memref<8192xf32, #tpu.memory_space<vmem>>) target_semaphore(%arg8 : memref<!tpu.dma_semaphore, #tpu.memory_space<semaphore_mem>>)
    %broadcast_in_dim3A = arith.constant 0.000000e+00 : f32
    %broadcast_in_dim3A_37 = vector.broadcast %broadcast_in_dim3A : f32 to vector<16xf32>
    %iota3A = tpu.iota {dimensions = array<i32: 0>} : vector<16xi32>
    %broadcast_in_dim3A_38 = arith.constant 1.000000e+00 : f32
    %broadcast_in_dim3A_39 = vector.broadcast %broadcast_in_dim3A_38 : f32 to vector<16xf32>
    %parallel_loop3A = arith.constant 0 : i32
    %parallel_loop3A_40 = arith.constant 256 : i32
    %parallel_loop3A_41 = arith.constant 1 : i32
    scf.for %parallel_loop3A_112 = %parallel_loop3A to %parallel_loop3A_40 step %parallel_loop3A_41  : i32 {
      %parallel_loop3A_113 = arith.constant 16 : i32
      %parallel_loop3A_114 = arith.muli %parallel_loop3A_112, %parallel_loop3A_113 : i32
      %parallel_loop3A_115 = arith.index_cast %parallel_loop3A_114 : i32 to index
      %parallel_loop3A_116 = tpu.vector_load %arg6[%parallel_loop3A_115] {strides = array<i32>} : memref<4096xf32, #tpu.memory_space<vmem>>, vector<16xf32>,
      tpu.vector_store %arg6[%parallel_loop3A_115], %broadcast_in_dim3A_37 {strides = array<i32>} : memref<4096xf32, #tpu.memory_space<vmem>>, vector<16xf32>,
    } {sc.loop_unroll_factor = 4 : i64, sc.parallel_access}
    %add3A_42 = arith.constant 8192 : i32
    %add3A_43 = arith.addi %add3A_35, %add3A_42 : i32
    %dma_start3A_44 = tpu.memref_slice %arg2[%add3A_43] : memref<2097152xf32, #tpu.memory_space<hbm>> -> memref<8192xf32, #tpu.memory_space<hbm>>
    %dma_start3A_45 = tpu.memref_slice %arg2[%add3A_43] : memref<2097152xf32, #tpu.memory_space<hbm>> -> memref<8192xf32, #tpu.memory_space<hbm>>
    tpu.enqueue_dma source(%dma_start3A_45 : memref<8192xf32, #tpu.memory_space<hbm>>) target(%arg5 : memref<8192xf32, #tpu.memory_space<vmem>>) target_semaphore(%arg9 : memref<!tpu.dma_semaphore, #tpu.memory_space<semaphore_mem>>)
    %dma_wait3A = tpu.memref_slice %arg2[%add3A_35] : memref<2097152xf32, #tpu.memory_space<hbm>> -> memref<8192xf32, #tpu.memory_space<hbm>>
    %dma_wait3A_46 = tpu.memref_slice %arg2[%add3A_35] : memref<2097152xf32, #tpu.memory_space<hbm>> -> memref<8192xf32, #tpu.memory_space<hbm>>
    tpu.wait_dma2 semaphore(%arg8 : memref<!tpu.dma_semaphore, #tpu.memory_space<semaphore_mem>>) src(%dma_wait3A_46 : memref<8192xf32, #tpu.memory_space<hbm>>) dst(%arg4 : memref<8192xf32, #tpu.memory_space<vmem>>)
    %parallel_loop3A_47 = arith.constant 0 : i32
    %parallel_loop3A_48 = arith.constant 512 : i32
    %parallel_loop3A_49 = arith.constant 1 : i32
    scf.for %parallel_loop3A_112 = %parallel_loop3A_47 to %parallel_loop3A_48 step %parallel_loop3A_49  : i32 {
      %parallel_loop3A_113 = arith.constant 16 : i32
      %parallel_loop3A_114 = arith.muli %parallel_loop3A_112, %parallel_loop3A_113 : i32
      %parallel_loop3A_115 = arith.index_cast %parallel_loop3A_114 : i32 to index
      %parallel_loop3A_116 = tpu.vector_load %arg4[%parallel_loop3A_115] {strides = array<i32>} : memref<8192xf32, #tpu.memory_space<vmem>>, vector<16xf32>,
      %parallel_loop3A_117 = arith.fptosi %parallel_loop3A_116 : vector<16xf32> to vector<16xi32>
      %parallel_loop3A_118 = arith.constant 16 : i32
      %parallel_loop3A_119 = vector.broadcast %parallel_loop3A_118 : i32 to vector<16xi32>
      %parallel_loop3A_120 = arith.muli %parallel_loop3A_117, %parallel_loop3A_119 : vector<16xi32>
      %parallel_loop3A_121 = arith.addi %parallel_loop3A_120, %iota3A : vector<16xi32>
      tpu.vector_store_idx %arg6[%parallel_loop3A_121], %broadcast_in_dim3A_39 {add = true} : memref<4096xf32, #tpu.memory_space<vmem>>[vector<16xi32>], vector<16xf32>,
    } {sc.loop_unroll_factor = 16 : i64, sc.parallel_access}
    %add3A_50 = arith.constant 16384 : i32
    %add3A_51 = arith.addi %add3A_35, %add3A_50 : i32
    %dma_start3A_52 = tpu.memref_slice %arg2[%add3A_51] : memref<2097152xf32, #tpu.memory_space<hbm>> -> memref<8192xf32, #tpu.memory_space<hbm>>
    %dma_start3A_53 = tpu.memref_slice %arg2[%add3A_51] : memref<2097152xf32, #tpu.memory_space<hbm>> -> memref<8192xf32, #tpu.memory_space<hbm>>
    tpu.enqueue_dma source(%dma_start3A_53 : memref<8192xf32, #tpu.memory_space<hbm>>) target(%arg4 : memref<8192xf32, #tpu.memory_space<vmem>>) target_semaphore(%arg8 : memref<!tpu.dma_semaphore, #tpu.memory_space<semaphore_mem>>)
    %dma_wait3A_54 = tpu.memref_slice %arg2[%add3A_43] : memref<2097152xf32, #tpu.memory_space<hbm>> -> memref<8192xf32, #tpu.memory_space<hbm>>
    %dma_wait3A_55 = tpu.memref_slice %arg2[%add3A_43] : memref<2097152xf32, #tpu.memory_space<hbm>> -> memref<8192xf32, #tpu.memory_space<hbm>>
    tpu.wait_dma2 semaphore(%arg9 : memref<!tpu.dma_semaphore, #tpu.memory_space<semaphore_mem>>) src(%dma_wait3A_55 : memref<8192xf32, #tpu.memory_space<hbm>>) dst(%arg5 : memref<8192xf32, #tpu.memory_space<vmem>>)
    %parallel_loop3A_56 = arith.constant 0 : i32
    %parallel_loop3A_57 = arith.constant 512 : i32
    %parallel_loop3A_58 = arith.constant 1 : i32
    scf.for %parallel_loop3A_112 = %parallel_loop3A_56 to %parallel_loop3A_57 step %parallel_loop3A_58  : i32 {
      %parallel_loop3A_113 = arith.constant 16 : i32
      %parallel_loop3A_114 = arith.muli %parallel_loop3A_112, %parallel_loop3A_113 : i32
      %parallel_loop3A_115 = arith.index_cast %parallel_loop3A_114 : i32 to index
      %parallel_loop3A_116 = tpu.vector_load %arg5[%parallel_loop3A_115] {strides = array<i32>} : memref<8192xf32, #tpu.memory_space<vmem>>, vector<16xf32>,
      %parallel_loop3A_117 = arith.fptosi %parallel_loop3A_116 : vector<16xf32> to vector<16xi32>
      %parallel_loop3A_118 = arith.constant 16 : i32
      %parallel_loop3A_119 = vector.broadcast %parallel_loop3A_118 : i32 to vector<16xi32>
      %parallel_loop3A_120 = arith.muli %parallel_loop3A_117, %parallel_loop3A_119 : vector<16xi32>
      %parallel_loop3A_121 = arith.addi %parallel_loop3A_120, %iota3A : vector<16xi32>
      tpu.vector_store_idx %arg6[%parallel_loop3A_121], %broadcast_in_dim3A_39 {add = true} : memref<4096xf32, #tpu.memory_space<vmem>>[vector<16xi32>], vector<16xf32>,
    } {sc.loop_unroll_factor = 16 : i64, sc.parallel_access}
    %add3A_59 = arith.constant 24576 : i32
    %add3A_60 = arith.addi %add3A_35, %add3A_59 : i32
    %dma_start3A_61 = tpu.memref_slice %arg2[%add3A_60] : memref<2097152xf32, #tpu.memory_space<hbm>> -> memref<8192xf32, #tpu.memory_space<hbm>>
    %dma_start3A_62 = tpu.memref_slice %arg2[%add3A_60] : memref<2097152xf32, #tpu.memory_space<hbm>> -> memref<8192xf32, #tpu.memory_space<hbm>>
    tpu.enqueue_dma source(%dma_start3A_62 : memref<8192xf32, #tpu.memory_space<hbm>>) target(%arg5 : memref<8192xf32, #tpu.memory_space<vmem>>) target_semaphore(%arg9 : memref<!tpu.dma_semaphore, #tpu.memory_space<semaphore_mem>>)
    %dma_wait3A_63 = tpu.memref_slice %arg2[%add3A_51] : memref<2097152xf32, #tpu.memory_space<hbm>> -> memref<8192xf32, #tpu.memory_space<hbm>>
    %dma_wait3A_64 = tpu.memref_slice %arg2[%add3A_51] : memref<2097152xf32, #tpu.memory_space<hbm>> -> memref<8192xf32, #tpu.memory_space<hbm>>
    tpu.wait_dma2 semaphore(%arg8 : memref<!tpu.dma_semaphore, #tpu.memory_space<semaphore_mem>>) src(%dma_wait3A_64 : memref<8192xf32, #tpu.memory_space<hbm>>) dst(%arg4 : memref<8192xf32, #tpu.memory_space<vmem>>)
    %parallel_loop3A_65 = arith.constant 0 : i32
    %parallel_loop3A_66 = arith.constant 512 : i32
    %parallel_loop3A_67 = arith.constant 1 : i32
    scf.for %parallel_loop3A_112 = %parallel_loop3A_65 to %parallel_loop3A_66 step %parallel_loop3A_67  : i32 {
      %parallel_loop3A_113 = arith.constant 16 : i32
      %parallel_loop3A_114 = arith.muli %parallel_loop3A_112, %parallel_loop3A_113 : i32
      %parallel_loop3A_115 = arith.index_cast %parallel_loop3A_114 : i32 to index
      %parallel_loop3A_116 = tpu.vector_load %arg4[%parallel_loop3A_115] {strides = array<i32>} : memref<8192xf32, #tpu.memory_space<vmem>>, vector<16xf32>,
      %parallel_loop3A_117 = arith.fptosi %parallel_loop3A_116 : vector<16xf32> to vector<16xi32>
      %parallel_loop3A_118 = arith.constant 16 : i32
      %parallel_loop3A_119 = vector.broadcast %parallel_loop3A_118 : i32 to vector<16xi32>
      %parallel_loop3A_120 = arith.muli %parallel_loop3A_117, %parallel_loop3A_119 : vector<16xi32>
      %parallel_loop3A_121 = arith.addi %parallel_loop3A_120, %iota3A : vector<16xi32>
      tpu.vector_store_idx %arg6[%parallel_loop3A_121], %broadcast_in_dim3A_39 {add = true} : memref<4096xf32, #tpu.memory_space<vmem>>[vector<16xi32>], vector<16xf32>,
    } {sc.loop_unroll_factor = 16 : i64, sc.parallel_access}
    %add3A_68 = arith.constant 32768 : i32
    %add3A_69 = arith.addi %add3A_35, %add3A_68 : i32
    %dma_start3A_70 = tpu.memref_slice %arg2[%add3A_69] : memref<2097152xf32, #tpu.memory_space<hbm>> -> memref<8192xf32, #tpu.memory_space<hbm>>
    %dma_start3A_71 = tpu.memref_slice %arg2[%add3A_69] : memref<2097152xf32, #tpu.memory_space<hbm>> -> memref<8192xf32, #tpu.memory_space<hbm>>
    tpu.enqueue_dma source(%dma_start3A_71 : memref<8192xf32, #tpu.memory_space<hbm>>) target(%arg4 : memref<8192xf32, #tpu.memory_space<vmem>>) target_semaphore(%arg8 : memref<!tpu.dma_semaphore, #tpu.memory_space<semaphore_mem>>)
    %dma_wait3A_72 = tpu.memref_slice %arg2[%add3A_60] : memref<2097152xf32, #tpu.memory_space<hbm>> -> memref<8192xf32, #tpu.memory_space<hbm>>
    %dma_wait3A_73 = tpu.memref_slice %arg2[%add3A_60] : memref<2097152xf32, #tpu.memory_space<hbm>> -> memref<8192xf32, #tpu.memory_space<hbm>>
    tpu.wait_dma2 semaphore(%arg9 : memref<!tpu.dma_semaphore, #tpu.memory_space<semaphore_mem>>) src(%dma_wait3A_73 : memref<8192xf32, #tpu.memory_space<hbm>>) dst(%arg5 : memref<8192xf32, #tpu.memory_space<vmem>>)
    %parallel_loop3A_74 = arith.constant 0 : i32
    %parallel_loop3A_75 = arith.constant 512 : i32
    %parallel_loop3A_76 = arith.constant 1 : i32
    scf.for %parallel_loop3A_112 = %parallel_loop3A_74 to %parallel_loop3A_75 step %parallel_loop3A_76  : i32 {
      %parallel_loop3A_113 = arith.constant 16 : i32
      %parallel_loop3A_114 = arith.muli %parallel_loop3A_112, %parallel_loop3A_113 : i32
      %parallel_loop3A_115 = arith.index_cast %parallel_loop3A_114 : i32 to index
      %parallel_loop3A_116 = tpu.vector_load %arg5[%parallel_loop3A_115] {strides = array<i32>} : memref<8192xf32, #tpu.memory_space<vmem>>, vector<16xf32>,
      %parallel_loop3A_117 = arith.fptosi %parallel_loop3A_116 : vector<16xf32> to vector<16xi32>
      %parallel_loop3A_118 = arith.constant 16 : i32
      %parallel_loop3A_119 = vector.broadcast %parallel_loop3A_118 : i32 to vector<16xi32>
      %parallel_loop3A_120 = arith.muli %parallel_loop3A_117, %parallel_loop3A_119 : vector<16xi32>
      %parallel_loop3A_121 = arith.addi %parallel_loop3A_120, %iota3A : vector<16xi32>
      tpu.vector_store_idx %arg6[%parallel_loop3A_121], %broadcast_in_dim3A_39 {add = true} : memref<4096xf32, #tpu.memory_space<vmem>>[vector<16xi32>], vector<16xf32>,
    } {sc.loop_unroll_factor = 16 : i64, sc.parallel_access}
    %add3A_77 = arith.constant 40960 : i32
    %add3A_78 = arith.addi %add3A_35, %add3A_77 : i32
    %dma_start3A_79 = tpu.memref_slice %arg2[%add3A_78] : memref<2097152xf32, #tpu.memory_space<hbm>> -> memref<8192xf32, #tpu.memory_space<hbm>>
    %dma_start3A_80 = tpu.memref_slice %arg2[%add3A_78] : memref<2097152xf32, #tpu.memory_space<hbm>> -> memref<8192xf32, #tpu.memory_space<hbm>>
    tpu.enqueue_dma source(%dma_start3A_80 : memref<8192xf32, #tpu.memory_space<hbm>>) target(%arg5 : memref<8192xf32, #tpu.memory_space<vmem>>) target_semaphore(%arg9 : memref<!tpu.dma_semaphore, #tpu.memory_space<semaphore_mem>>)
    %dma_wait3A_81 = tpu.memref_slice %arg2[%add3A_69] : memref<2097152xf32, #tpu.memory_space<hbm>> -> memref<8192xf32, #tpu.memory_space<hbm>>
    %dma_wait3A_82 = tpu.memref_slice %arg2[%add3A_69] : memref<2097152xf32, #tpu.memory_space<hbm>> -> memref<8192xf32, #tpu.memory_space<hbm>>
    tpu.wait_dma2 semaphore(%arg8 : memref<!tpu.dma_semaphore, #tpu.memory_space<semaphore_mem>>) src(%dma_wait3A_82 : memref<8192xf32, #tpu.memory_space<hbm>>) dst(%arg4 : memref<8192xf32, #tpu.memory_space<vmem>>)
    %parallel_loop3A_83 = arith.constant 0 : i32
    %parallel_loop3A_84 = arith.constant 512 : i32
    %parallel_loop3A_85 = arith.constant 1 : i32
    scf.for %parallel_loop3A_112 = %parallel_loop3A_83 to %parallel_loop3A_84 step %parallel_loop3A_85  : i32 {
      %parallel_loop3A_113 = arith.constant 16 : i32
      %parallel_loop3A_114 = arith.muli %parallel_loop3A_112, %parallel_loop3A_113 : i32
      %parallel_loop3A_115 = arith.index_cast %parallel_loop3A_114 : i32 to index
      %parallel_loop3A_116 = tpu.vector_load %arg4[%parallel_loop3A_115] {strides = array<i32>} : memref<8192xf32, #tpu.memory_space<vmem>>, vector<16xf32>,
      %parallel_loop3A_117 = arith.fptosi %parallel_loop3A_116 : vector<16xf32> to vector<16xi32>
      %parallel_loop3A_118 = arith.constant 16 : i32
      %parallel_loop3A_119 = vector.broadcast %parallel_loop3A_118 : i32 to vector<16xi32>
      %parallel_loop3A_120 = arith.muli %parallel_loop3A_117, %parallel_loop3A_119 : vector<16xi32>
      %parallel_loop3A_121 = arith.addi %parallel_loop3A_120, %iota3A : vector<16xi32>
      tpu.vector_store_idx %arg6[%parallel_loop3A_121], %broadcast_in_dim3A_39 {add = true} : memref<4096xf32, #tpu.memory_space<vmem>>[vector<16xi32>], vector<16xf32>,
    } {sc.loop_unroll_factor = 16 : i64, sc.parallel_access}
    %add3A_86 = arith.constant 49152 : i32
    %add3A_87 = arith.addi %add3A_35, %add3A_86 : i32
    %dma_start3A_88 = tpu.memref_slice %arg2[%add3A_87] : memref<2097152xf32, #tpu.memory_space<hbm>> -> memref<8192xf32, #tpu.memory_space<hbm>>
    %dma_start3A_89 = tpu.memref_slice %arg2[%add3A_87] : memref<2097152xf32, #tpu.memory_space<hbm>> -> memref<8192xf32, #tpu.memory_space<hbm>>
    tpu.enqueue_dma source(%dma_start3A_89 : memref<8192xf32, #tpu.memory_space<hbm>>) target(%arg4 : memref<8192xf32, #tpu.memory_space<vmem>>) target_semaphore(%arg8 : memref<!tpu.dma_semaphore, #tpu.memory_space<semaphore_mem>>)
    %dma_wait3A_90 = tpu.memref_slice %arg2[%add3A_78] : memref<2097152xf32, #tpu.memory_space<hbm>> -> memref<8192xf32, #tpu.memory_space<hbm>>
    %dma_wait3A_91 = tpu.memref_slice %arg2[%add3A_78] : memref<2097152xf32, #tpu.memory_space<hbm>> -> memref<8192xf32, #tpu.memory_space<hbm>>
    tpu.wait_dma2 semaphore(%arg9 : memref<!tpu.dma_semaphore, #tpu.memory_space<semaphore_mem>>) src(%dma_wait3A_91 : memref<8192xf32, #tpu.memory_space<hbm>>) dst(%arg5 : memref<8192xf32, #tpu.memory_space<vmem>>)
    %parallel_loop3A_92 = arith.constant 0 : i32
    %parallel_loop3A_93 = arith.constant 512 : i32
    %parallel_loop3A_94 = arith.constant 1 : i32
    scf.for %parallel_loop3A_112 = %parallel_loop3A_92 to %parallel_loop3A_93 step %parallel_loop3A_94  : i32 {
      %parallel_loop3A_113 = arith.constant 16 : i32
      %parallel_loop3A_114 = arith.muli %parallel_loop3A_112, %parallel_loop3A_113 : i32
      %parallel_loop3A_115 = arith.index_cast %parallel_loop3A_114 : i32 to index
      %parallel_loop3A_116 = tpu.vector_load %arg5[%parallel_loop3A_115] {strides = array<i32>} : memref<8192xf32, #tpu.memory_space<vmem>>, vector<16xf32>,
      %parallel_loop3A_117 = arith.fptosi %parallel_loop3A_116 : vector<16xf32> to vector<16xi32>
      %parallel_loop3A_118 = arith.constant 16 : i32
      %parallel_loop3A_119 = vector.broadcast %parallel_loop3A_118 : i32 to vector<16xi32>
      %parallel_loop3A_120 = arith.muli %parallel_loop3A_117, %parallel_loop3A_119 : vector<16xi32>
      %parallel_loop3A_121 = arith.addi %parallel_loop3A_120, %iota3A : vector<16xi32>
      tpu.vector_store_idx %arg6[%parallel_loop3A_121], %broadcast_in_dim3A_39 {add = true} : memref<4096xf32, #tpu.memory_space<vmem>>[vector<16xi32>], vector<16xf32>,
    } {sc.loop_unroll_factor = 16 : i64, sc.parallel_access}
    %add3A_95 = arith.constant 57344 : i32
    %add3A_96 = arith.addi %add3A_35, %add3A_95 : i32
    %dma_start3A_97 = tpu.memref_slice %arg2[%add3A_96] : memref<2097152xf32, #tpu.memory_space<hbm>> -> memref<8192xf32, #tpu.memory_space<hbm>>
    %dma_start3A_98 = tpu.memref_slice %arg2[%add3A_96] : memref<2097152xf32, #tpu.memory_space<hbm>> -> memref<8192xf32, #tpu.memory_space<hbm>>
    tpu.enqueue_dma source(%dma_start3A_98 : memref<8192xf32, #tpu.memory_space<hbm>>) target(%arg5 : memref<8192xf32, #tpu.memory_space<vmem>>) target_semaphore(%arg9 : memref<!tpu.dma_semaphore, #tpu.memory_space<semaphore_mem>>)
    %dma_wait3A_99 = tpu.memref_slice %arg2[%add3A_87] : memref<2097152xf32, #tpu.memory_space<hbm>> -> memref<8192xf32, #tpu.memory_space<hbm>>
    %dma_wait3A_100 = tpu.memref_slice %arg2[%add3A_87] : memref<2097152xf32, #tpu.memory_space<hbm>> -> memref<8192xf32, #tpu.memory_space<hbm>>
    tpu.wait_dma2 semaphore(%arg8 : memref<!tpu.dma_semaphore, #tpu.memory_space<semaphore_mem>>) src(%dma_wait3A_100 : memref<8192xf32, #tpu.memory_space<hbm>>) dst(%arg4 : memref<8192xf32, #tpu.memory_space<vmem>>)
    %parallel_loop3A_101 = arith.constant 0 : i32
    %parallel_loop3A_102 = arith.constant 512 : i32
    %parallel_loop3A_103 = arith.constant 1 : i32
    scf.for %parallel_loop3A_112 = %parallel_loop3A_101 to %parallel_loop3A_102 step %parallel_loop3A_103  : i32 {
      %parallel_loop3A_113 = arith.constant 16 : i32
      %parallel_loop3A_114 = arith.muli %parallel_loop3A_112, %parallel_loop3A_113 : i32
      %parallel_loop3A_115 = arith.index_cast %parallel_loop3A_114 : i32 to index
      %parallel_loop3A_116 = tpu.vector_load %arg4[%parallel_loop3A_115] {strides = array<i32>} : memref<8192xf32, #tpu.memory_space<vmem>>, vector<16xf32>,
      %parallel_loop3A_117 = arith.fptosi %parallel_loop3A_116 : vector<16xf32> to vector<16xi32>
      %parallel_loop3A_118 = arith.constant 16 : i32
      %parallel_loop3A_119 = vector.broadcast %parallel_loop3A_118 : i32 to vector<16xi32>
      %parallel_loop3A_120 = arith.muli %parallel_loop3A_117, %parallel_loop3A_119 : vector<16xi32>
      %parallel_loop3A_121 = arith.addi %parallel_loop3A_120, %iota3A : vector<16xi32>
      tpu.vector_store_idx %arg6[%parallel_loop3A_121], %broadcast_in_dim3A_39 {add = true} : memref<4096xf32, #tpu.memory_space<vmem>>[vector<16xi32>], vector<16xf32>,
    } {sc.loop_unroll_factor = 16 : i64, sc.parallel_access}
    %dma_wait3A_104 = tpu.memref_slice %arg2[%add3A_96] : memref<2097152xf32, #tpu.memory_space<hbm>> -> memref<8192xf32, #tpu.memory_space<hbm>>
    %dma_wait3A_105 = tpu.memref_slice %arg2[%add3A_96] : memref<2097152xf32, #tpu.memory_space<hbm>> -> memref<8192xf32, #tpu.memory_space<hbm>>
    tpu.wait_dma2 semaphore(%arg9 : memref<!tpu.dma_semaphore, #tpu.memory_space<semaphore_mem>>) src(%dma_wait3A_105 : memref<8192xf32, #tpu.memory_space<hbm>>) dst(%arg5 : memref<8192xf32, #tpu.memory_space<vmem>>)
    %parallel_loop3A_106 = arith.constant 0 : i32
    %parallel_loop3A_107 = arith.constant 512 : i32
    %parallel_loop3A_108 = arith.constant 1 : i32
    scf.for %parallel_loop3A_112 = %parallel_loop3A_106 to %parallel_loop3A_107 step %parallel_loop3A_108  : i32 {
      %parallel_loop3A_113 = arith.constant 16 : i32
      %parallel_loop3A_114 = arith.muli %parallel_loop3A_112, %parallel_loop3A_113 : i32
      %parallel_loop3A_115 = arith.index_cast %parallel_loop3A_114 : i32 to index
      %parallel_loop3A_116 = tpu.vector_load %arg5[%parallel_loop3A_115] {strides = array<i32>} : memref<8192xf32, #tpu.memory_space<vmem>>, vector<16xf32>,
      %parallel_loop3A_117 = arith.fptosi %parallel_loop3A_116 : vector<16xf32> to vector<16xi32>
      %parallel_loop3A_118 = arith.constant 16 : i32
      %parallel_loop3A_119 = vector.broadcast %parallel_loop3A_118 : i32 to vector<16xi32>
      %parallel_loop3A_120 = arith.muli %parallel_loop3A_117, %parallel_loop3A_119 : vector<16xi32>
      %parallel_loop3A_121 = arith.addi %parallel_loop3A_120, %iota3A : vector<16xi32>
      tpu.vector_store_idx %arg6[%parallel_loop3A_121], %broadcast_in_dim3A_39 {add = true} : memref<4096xf32, #tpu.memory_space<vmem>>[vector<16xi32>], vector<16xf32>,
    } {sc.loop_unroll_factor = 16 : i64, sc.parallel_access}
    %parallel_loop3A_109 = arith.constant 0 : i32
    %parallel_loop3A_110 = arith.constant 16 : i32
    %parallel_loop3A_111 = arith.constant 1 : i32
    scf.for %parallel_loop3A_112 = %parallel_loop3A_109 to %parallel_loop3A_110 step %parallel_loop3A_111  : i32 {
      %parallel_loop3A_113 = arith.constant 0.000000e+00 : f32
      %parallel_loop3A_114 = vector.broadcast %parallel_loop3A_113 : f32 to vector<16xf32>
      %parallel_loop3A_115 = arith.constant 16 : i32
      %parallel_loop3A_116 = arith.muli %parallel_loop3A_112, %parallel_loop3A_115 : i32
      %parallel_loop3A_117 = arith.constant 0 : i32
      %parallel_loop3A_118 = arith.addi %parallel_loop3A_116, %parallel_loop3A_117 : i32
      %parallel_loop3A_119 = arith.constant 16 : i32
      %parallel_loop3A_120 = arith.muli %parallel_loop3A_118, %parallel_loop3A_119 : i32
      %parallel_loop3A_121 = arith.index_cast %parallel_loop3A_120 : i32 to index
      %parallel_loop3A_122 = tpu.vector_load %arg6[%parallel_loop3A_121] {strides = array<i32>} : memref<4096xf32, #tpu.memory_space<vmem>>, vector<16xf32>,
      %parallel_loop3A_123 = arith.constant true
      %parallel_loop3A_124 = vector.broadcast %parallel_loop3A_123 : i1 to vector<16xi1>
      %parallel_loop3A_125 = tpu.scan <sum>, %parallel_loop3A_122 masked %parallel_loop3A_124 : vector<16xf32>, vector<16xi1> -> vector<16xf32>
      %parallel_loop3A_126 = vector.extract %parallel_loop3A_125[15] : f32 from vector<16xf32>
      %parallel_loop3A_127 = arith.constant 0 : i32
      %parallel_loop3A_128 = vector.broadcast %parallel_loop3A_127 : i32 to vector<16xi32>
      %parallel_loop3A_129 = arith.cmpi eq, %iota3A, %parallel_loop3A_128 : vector<16xi32>
      %parallel_loop3A_130 = vector.broadcast %parallel_loop3A_126 : f32 to vector<16xf32>
      %parallel_loop3A_131 = arith.select %parallel_loop3A_129, %parallel_loop3A_130, %parallel_loop3A_114 : vector<16xi1>, vector<16xf32>
      %parallel_loop3A_132 = arith.constant 16 : i32
      %parallel_loop3A_133 = arith.muli %parallel_loop3A_112, %parallel_loop3A_132 : i32
      %parallel_loop3A_134 = arith.constant 1 : i32
      %parallel_loop3A_135 = arith.addi %parallel_loop3A_133, %parallel_loop3A_134 : i32
      %parallel_loop3A_136 = arith.constant 16 : i32
      %parallel_loop3A_137 = arith.muli %parallel_loop3A_135, %parallel_loop3A_136 : i32
      %parallel_loop3A_138 = arith.index_cast %parallel_loop3A_137 : i32 to index
      %parallel_loop3A_139 = tpu.vector_load %arg6[%parallel_loop3A_138] {strides = array<i32>} : memref<4096xf32, #tpu.memory_space<vmem>>, vector<16xf32>,
      %parallel_loop3A_140 = arith.constant true
      %parallel_loop3A_141 = vector.broadcast %parallel_loop3A_140 : i1 to vector<16xi1>
      %parallel_loop3A_142 = tpu.scan <sum>, %parallel_loop3A_139 masked %parallel_loop3A_141 : vector<16xf32>, vector<16xi1> -> vector<16xf32>
      %parallel_loop3A_143 = vector.extract %parallel_loop3A_142[15] : f32 from vector<16xf32>
      %parallel_loop3A_144 = arith.constant 1 : i32
      %parallel_loop3A_145 = vector.broadcast %parallel_loop3A_144 : i32 to vector<16xi32>
      %parallel_loop3A_146 = arith.cmpi eq, %iota3A, %parallel_loop3A_145 : vector<16xi32>
      %parallel_loop3A_147 = vector.broadcast %parallel_loop3A_143 : f32 to vector<16xf32>
      %parallel_loop3A_148 = arith.select %parallel_loop3A_146, %parallel_loop3A_147, %parallel_loop3A_131 : vector<16xi1>, vector<16xf32>
      %parallel_loop3A_149 = arith.constant 16 : i32
      %parallel_loop3A_150 = arith.muli %parallel_loop3A_112, %parallel_loop3A_149 : i32
      %parallel_loop3A_151 = arith.constant 2 : i32
      %parallel_loop3A_152 = arith.addi %parallel_loop3A_150, %parallel_loop3A_151 : i32
      %parallel_loop3A_153 = arith.constant 16 : i32
      %parallel_loop3A_154 = arith.muli %parallel_loop3A_152, %parallel_loop3A_153 : i32
      %parallel_loop3A_155 = arith.index_cast %parallel_loop3A_154 : i32 to index
      %parallel_loop3A_156 = tpu.vector_load %arg6[%parallel_loop3A_155] {strides = array<i32>} : memref<4096xf32, #tpu.memory_space<vmem>>, vector<16xf32>,
      %parallel_loop3A_157 = arith.constant true
      %parallel_loop3A_158 = vector.broadcast %parallel_loop3A_157 : i1 to vector<16xi1>
      %parallel_loop3A_159 = tpu.scan <sum>, %parallel_loop3A_156 masked %parallel_loop3A_158 : vector<16xf32>, vector<16xi1> -> vector<16xf32>
      %parallel_loop3A_160 = vector.extract %parallel_loop3A_159[15] : f32 from vector<16xf32>
      %parallel_loop3A_161 = arith.constant 2 : i32
      %parallel_loop3A_162 = vector.broadcast %parallel_loop3A_161 : i32 to vector<16xi32>
      %parallel_loop3A_163 = arith.cmpi eq, %iota3A, %parallel_loop3A_162 : vector<16xi32>
      %parallel_loop3A_164 = vector.broadcast %parallel_loop3A_160 : f32 to vector<16xf32>
      %parallel_loop3A_165 = arith.select %parallel_loop3A_163, %parallel_loop3A_164, %parallel_loop3A_148 : vector<16xi1>, vector<16xf32>
      %parallel_loop3A_166 = arith.constant 16 : i32
      %parallel_loop3A_167 = arith.muli %parallel_loop3A_112, %parallel_loop3A_166 : i32
      %parallel_loop3A_168 = arith.constant 3 : i32
      %parallel_loop3A_169 = arith.addi %parallel_loop3A_167, %parallel_loop3A_168 : i32
      %parallel_loop3A_170 = arith.constant 16 : i32
      %parallel_loop3A_171 = arith.muli %parallel_loop3A_169, %parallel_loop3A_170 : i32
      %parallel_loop3A_172 = arith.index_cast %parallel_loop3A_171 : i32 to index
      %parallel_loop3A_173 = tpu.vector_load %arg6[%parallel_loop3A_172] {strides = array<i32>} : memref<4096xf32, #tpu.memory_space<vmem>>, vector<16xf32>,
      %parallel_loop3A_174 = arith.constant true
      %parallel_loop3A_175 = vector.broadcast %parallel_loop3A_174 : i1 to vector<16xi1>
      %parallel_loop3A_176 = tpu.scan <sum>, %parallel_loop3A_173 masked %parallel_loop3A_175 : vector<16xf32>, vector<16xi1> -> vector<16xf32>
      %parallel_loop3A_177 = vector.extract %parallel_loop3A_176[15] : f32 from vector<16xf32>
      %parallel_loop3A_178 = arith.constant 3 : i32
      %parallel_loop3A_179 = vector.broadcast %parallel_loop3A_178 : i32 to vector<16xi32>
      %parallel_loop3A_180 = arith.cmpi eq, %iota3A, %parallel_loop3A_179 : vector<16xi32>
      %parallel_loop3A_181 = vector.broadcast %parallel_loop3A_177 : f32 to vector<16xf32>
      %parallel_loop3A_182 = arith.select %parallel_loop3A_180, %parallel_loop3A_181, %parallel_loop3A_165 : vector<16xi1>, vector<16xf32>
      %parallel_loop3A_183 = arith.constant 16 : i32
      %parallel_loop3A_184 = arith.muli %parallel_loop3A_112, %parallel_loop3A_183 : i32
      %parallel_loop3A_185 = arith.constant 4 : i32
      %parallel_loop3A_186 = arith.addi %parallel_loop3A_184, %parallel_loop3A_185 : i32
      %parallel_loop3A_187 = arith.constant 16 : i32
      %parallel_loop3A_188 = arith.muli %parallel_loop3A_186, %parallel_loop3A_187 : i32
      %parallel_loop3A_189 = arith.index_cast %parallel_loop3A_188 : i32 to index
      %parallel_loop3A_190 = tpu.vector_load %arg6[%parallel_loop3A_189] {strides = array<i32>} : memref<4096xf32, #tpu.memory_space<vmem>>, vector<16xf32>,
      %parallel_loop3A_191 = arith.constant true
      %parallel_loop3A_192 = vector.broadcast %parallel_loop3A_191 : i1 to vector<16xi1>
      %parallel_loop3A_193 = tpu.scan <sum>, %parallel_loop3A_190 masked %parallel_loop3A_192 : vector<16xf32>, vector<16xi1> -> vector<16xf32>
      %parallel_loop3A_194 = vector.extract %parallel_loop3A_193[15] : f32 from vector<16xf32>
      %parallel_loop3A_195 = arith.constant 4 : i32
      %parallel_loop3A_196 = vector.broadcast %parallel_loop3A_195 : i32 to vector<16xi32>
      %parallel_loop3A_197 = arith.cmpi eq, %iota3A, %parallel_loop3A_196 : vector<16xi32>
      %parallel_loop3A_198 = vector.broadcast %parallel_loop3A_194 : f32 to vector<16xf32>
      %parallel_loop3A_199 = arith.select %parallel_loop3A_197, %parallel_loop3A_198, %parallel_loop3A_182 : vector<16xi1>, vector<16xf32>
      %parallel_loop3A_200 = arith.constant 16 : i32
      %parallel_loop3A_201 = arith.muli %parallel_loop3A_112, %parallel_loop3A_200 : i32
      %parallel_loop3A_202 = arith.constant 5 : i32
      %parallel_loop3A_203 = arith.addi %parallel_loop3A_201, %parallel_loop3A_202 : i32
      %parallel_loop3A_204 = arith.constant 16 : i32
      %parallel_loop3A_205 = arith.muli %parallel_loop3A_203, %parallel_loop3A_204 : i32
      %parallel_loop3A_206 = arith.index_cast %parallel_loop3A_205 : i32 to index
      %parallel_loop3A_207 = tpu.vector_load %arg6[%parallel_loop3A_206] {strides = array<i32>} : memref<4096xf32, #tpu.memory_space<vmem>>, vector<16xf32>,
      %parallel_loop3A_208 = arith.constant true
      %parallel_loop3A_209 = vector.broadcast %parallel_loop3A_208 : i1 to vector<16xi1>
      %parallel_loop3A_210 = tpu.scan <sum>, %parallel_loop3A_207 masked %parallel_loop3A_209 : vector<16xf32>, vector<16xi1> -> vector<16xf32>
      %parallel_loop3A_211 = vector.extract %parallel_loop3A_210[15] : f32 from vector<16xf32>
      %parallel_loop3A_212 = arith.constant 5 : i32
      %parallel_loop3A_213 = vector.broadcast %parallel_loop3A_212 : i32 to vector<16xi32>
      %parallel_loop3A_214 = arith.cmpi eq, %iota3A, %parallel_loop3A_213 : vector<16xi32>
      %parallel_loop3A_215 = vector.broadcast %parallel_loop3A_211 : f32 to vector<16xf32>
      %parallel_loop3A_216 = arith.select %parallel_loop3A_214, %parallel_loop3A_215, %parallel_loop3A_199 : vector<16xi1>, vector<16xf32>
      %parallel_loop3A_217 = arith.constant 16 : i32
      %parallel_loop3A_218 = arith.muli %parallel_loop3A_112, %parallel_loop3A_217 : i32
      %parallel_loop3A_219 = arith.constant 6 : i32
      %parallel_loop3A_220 = arith.addi %parallel_loop3A_218, %parallel_loop3A_219 : i32
      %parallel_loop3A_221 = arith.constant 16 : i32
      %parallel_loop3A_222 = arith.muli %parallel_loop3A_220, %parallel_loop3A_221 : i32
      %parallel_loop3A_223 = arith.index_cast %parallel_loop3A_222 : i32 to index
      %parallel_loop3A_224 = tpu.vector_load %arg6[%parallel_loop3A_223] {strides = array<i32>} : memref<4096xf32, #tpu.memory_space<vmem>>, vector<16xf32>,
      %parallel_loop3A_225 = arith.constant true
      %parallel_loop3A_226 = vector.broadcast %parallel_loop3A_225 : i1 to vector<16xi1>
      %parallel_loop3A_227 = tpu.scan <sum>, %parallel_loop3A_224 masked %parallel_loop3A_226 : vector<16xf32>, vector<16xi1> -> vector<16xf32>
      %parallel_loop3A_228 = vector.extract %parallel_loop3A_227[15] : f32 from vector<16xf32>
      %parallel_loop3A_229 = arith.constant 6 : i32
      %parallel_loop3A_230 = vector.broadcast %parallel_loop3A_229 : i32 to vector<16xi32>
      %parallel_loop3A_231 = arith.cmpi eq, %iota3A, %parallel_loop3A_230 : vector<16xi32>
      %parallel_loop3A_232 = vector.broadcast %parallel_loop3A_228 : f32 to vector<16xf32>
      %parallel_loop3A_233 = arith.select %parallel_loop3A_231, %parallel_loop3A_232, %parallel_loop3A_216 : vector<16xi1>, vector<16xf32>
      %parallel_loop3A_234 = arith.constant 16 : i32
      %parallel_loop3A_235 = arith.muli %parallel_loop3A_112, %parallel_loop3A_234 : i32
      %parallel_loop3A_236 = arith.constant 7 : i32
      %parallel_loop3A_237 = arith.addi %parallel_loop3A_235, %parallel_loop3A_236 : i32
      %parallel_loop3A_238 = arith.constant 16 : i32
      %parallel_loop3A_239 = arith.muli %parallel_loop3A_237, %parallel_loop3A_238 : i32
      %parallel_loop3A_240 = arith.index_cast %parallel_loop3A_239 : i32 to index
      %parallel_loop3A_241 = tpu.vector_load %arg6[%parallel_loop3A_240] {strides = array<i32>} : memref<4096xf32, #tpu.memory_space<vmem>>, vector<16xf32>,
      %parallel_loop3A_242 = arith.constant true
      %parallel_loop3A_243 = vector.broadcast %parallel_loop3A_242 : i1 to vector<16xi1>
      %parallel_loop3A_244 = tpu.scan <sum>, %parallel_loop3A_241 masked %parallel_loop3A_243 : vector<16xf32>, vector<16xi1> -> vector<16xf32>
      %parallel_loop3A_245 = vector.extract %parallel_loop3A_244[15] : f32 from vector<16xf32>
      %parallel_loop3A_246 = arith.constant 7 : i32
      %parallel_loop3A_247 = vector.broadcast %parallel_loop3A_246 : i32 to vector<16xi32>
      %parallel_loop3A_248 = arith.cmpi eq, %iota3A, %parallel_loop3A_247 : vector<16xi32>
      %parallel_loop3A_249 = vector.broadcast %parallel_loop3A_245 : f32 to vector<16xf32>
      %parallel_loop3A_250 = arith.select %parallel_loop3A_248, %parallel_loop3A_249, %parallel_loop3A_233 : vector<16xi1>, vector<16xf32>
      %parallel_loop3A_251 = arith.constant 16 : i32
      %parallel_loop3A_252 = arith.muli %parallel_loop3A_112, %parallel_loop3A_251 : i32
      %parallel_loop3A_253 = arith.constant 8 : i32
      %parallel_loop3A_254 = arith.addi %parallel_loop3A_252, %parallel_loop3A_253 : i32
      %parallel_loop3A_255 = arith.constant 16 : i32
      %parallel_loop3A_256 = arith.muli %parallel_loop3A_254, %parallel_loop3A_255 : i32
      %parallel_loop3A_257 = arith.index_cast %parallel_loop3A_256 : i32 to index
      %parallel_loop3A_258 = tpu.vector_load %arg6[%parallel_loop3A_257] {strides = array<i32>} : memref<4096xf32, #tpu.memory_space<vmem>>, vector<16xf32>,
      %parallel_loop3A_259 = arith.constant true
      %parallel_loop3A_260 = vector.broadcast %parallel_loop3A_259 : i1 to vector<16xi1>
      %parallel_loop3A_261 = tpu.scan <sum>, %parallel_loop3A_258 masked %parallel_loop3A_260 : vector<16xf32>, vector<16xi1> -> vector<16xf32>
      %parallel_loop3A_262 = vector.extract %parallel_loop3A_261[15] : f32 from vector<16xf32>
      %parallel_loop3A_263 = arith.constant 8 : i32
      %parallel_loop3A_264 = vector.broadcast %parallel_loop3A_263 : i32 to vector<16xi32>
      %parallel_loop3A_265 = arith.cmpi eq, %iota3A, %parallel_loop3A_264 : vector<16xi32>
      %parallel_loop3A_266 = vector.broadcast %parallel_loop3A_262 : f32 to vector<16xf32>
      %parallel_loop3A_267 = arith.select %parallel_loop3A_265, %parallel_loop3A_266, %parallel_loop3A_250 : vector<16xi1>, vector<16xf32>
      %parallel_loop3A_268 = arith.constant 16 : i32
      %parallel_loop3A_269 = arith.muli %parallel_loop3A_112, %parallel_loop3A_268 : i32
      %parallel_loop3A_270 = arith.constant 9 : i32
      %parallel_loop3A_271 = arith.addi %parallel_loop3A_269, %parallel_loop3A_270 : i32
      %parallel_loop3A_272 = arith.constant 16 : i32
      %parallel_loop3A_273 = arith.muli %parallel_loop3A_271, %parallel_loop3A_272 : i32
      %parallel_loop3A_274 = arith.index_cast %parallel_loop3A_273 : i32 to index
      %parallel_loop3A_275 = tpu.vector_load %arg6[%parallel_loop3A_274] {strides = array<i32>} : memref<4096xf32, #tpu.memory_space<vmem>>, vector<16xf32>,
      %parallel_loop3A_276 = arith.constant true
      %parallel_loop3A_277 = vector.broadcast %parallel_loop3A_276 : i1 to vector<16xi1>
      %parallel_loop3A_278 = tpu.scan <sum>, %parallel_loop3A_275 masked %parallel_loop3A_277 : vector<16xf32>, vector<16xi1> -> vector<16xf32>
      %parallel_loop3A_279 = vector.extract %parallel_loop3A_278[15] : f32 from vector<16xf32>
      %parallel_loop3A_280 = arith.constant 9 : i32
      %parallel_loop3A_281 = vector.broadcast %parallel_loop3A_280 : i32 to vector<16xi32>
      %parallel_loop3A_282 = arith.cmpi eq, %iota3A, %parallel_loop3A_281 : vector<16xi32>
      %parallel_loop3A_283 = vector.broadcast %parallel_loop3A_279 : f32 to vector<16xf32>
      %parallel_loop3A_284 = arith.select %parallel_loop3A_282, %parallel_loop3A_283, %parallel_loop3A_267 : vector<16xi1>, vector<16xf32>
      %parallel_loop3A_285 = arith.constant 16 : i32
      %parallel_loop3A_286 = arith.muli %parallel_loop3A_112, %parallel_loop3A_285 : i32
      %parallel_loop3A_287 = arith.constant 10 : i32
      %parallel_loop3A_288 = arith.addi %parallel_loop3A_286, %parallel_loop3A_287 : i32
      %parallel_loop3A_289 = arith.constant 16 : i32
      %parallel_loop3A_290 = arith.muli %parallel_loop3A_288, %parallel_loop3A_289 : i32
      %parallel_loop3A_291 = arith.index_cast %parallel_loop3A_290 : i32 to index
      %parallel_loop3A_292 = tpu.vector_load %arg6[%parallel_loop3A_291] {strides = array<i32>} : memref<4096xf32, #tpu.memory_space<vmem>>, vector<16xf32>,
      %parallel_loop3A_293 = arith.constant true
      %parallel_loop3A_294 = vector.broadcast %parallel_loop3A_293 : i1 to vector<16xi1>
      %parallel_loop3A_295 = tpu.scan <sum>, %parallel_loop3A_292 masked %parallel_loop3A_294 : vector<16xf32>, vector<16xi1> -> vector<16xf32>
      %parallel_loop3A_296 = vector.extract %parallel_loop3A_295[15] : f32 from vector<16xf32>
      %parallel_loop3A_297 = arith.constant 10 : i32
      %parallel_loop3A_298 = vector.broadcast %parallel_loop3A_297 : i32 to vector<16xi32>
      %parallel_loop3A_299 = arith.cmpi eq, %iota3A, %parallel_loop3A_298 : vector<16xi32>
      %parallel_loop3A_300 = vector.broadcast %parallel_loop3A_296 : f32 to vector<16xf32>
      %parallel_loop3A_301 = arith.select %parallel_loop3A_299, %parallel_loop3A_300, %parallel_loop3A_284 : vector<16xi1>, vector<16xf32>
      %parallel_loop3A_302 = arith.constant 16 : i32
      %parallel_loop3A_303 = arith.muli %parallel_loop3A_112, %parallel_loop3A_302 : i32
      %parallel_loop3A_304 = arith.constant 11 : i32
      %parallel_loop3A_305 = arith.addi %parallel_loop3A_303, %parallel_loop3A_304 : i32
      %parallel_loop3A_306 = arith.constant 16 : i32
      %parallel_loop3A_307 = arith.muli %parallel_loop3A_305, %parallel_loop3A_306 : i32
      %parallel_loop3A_308 = arith.index_cast %parallel_loop3A_307 : i32 to index
      %parallel_loop3A_309 = tpu.vector_load %arg6[%parallel_loop3A_308] {strides = array<i32>} : memref<4096xf32, #tpu.memory_space<vmem>>, vector<16xf32>,
      %parallel_loop3A_310 = arith.constant true
      %parallel_loop3A_311 = vector.broadcast %parallel_loop3A_310 : i1 to vector<16xi1>
      %parallel_loop3A_312 = tpu.scan <sum>, %parallel_loop3A_309 masked %parallel_loop3A_311 : vector<16xf32>, vector<16xi1> -> vector<16xf32>
      %parallel_loop3A_313 = vector.extract %parallel_loop3A_312[15] : f32 from vector<16xf32>
      %parallel_loop3A_314 = arith.constant 11 : i32
      %parallel_loop3A_315 = vector.broadcast %parallel_loop3A_314 : i32 to vector<16xi32>
      %parallel_loop3A_316 = arith.cmpi eq, %iota3A, %parallel_loop3A_315 : vector<16xi32>
      %parallel_loop3A_317 = vector.broadcast %parallel_loop3A_313 : f32 to vector<16xf32>
      %parallel_loop3A_318 = arith.select %parallel_loop3A_316, %parallel_loop3A_317, %parallel_loop3A_301 : vector<16xi1>, vector<16xf32>
      %parallel_loop3A_319 = arith.constant 16 : i32
      %parallel_loop3A_320 = arith.muli %parallel_loop3A_112, %parallel_loop3A_319 : i32
      %parallel_loop3A_321 = arith.constant 12 : i32
      %parallel_loop3A_322 = arith.addi %parallel_loop3A_320, %parallel_loop3A_321 : i32
      %parallel_loop3A_323 = arith.constant 16 : i32
      %parallel_loop3A_324 = arith.muli %parallel_loop3A_322, %parallel_loop3A_323 : i32
      %parallel_loop3A_325 = arith.index_cast %parallel_loop3A_324 : i32 to index
      %parallel_loop3A_326 = tpu.vector_load %arg6[%parallel_loop3A_325] {strides = array<i32>} : memref<4096xf32, #tpu.memory_space<vmem>>, vector<16xf32>,
      %parallel_loop3A_327 = arith.constant true
      %parallel_loop3A_328 = vector.broadcast %parallel_loop3A_327 : i1 to vector<16xi1>
      %parallel_loop3A_329 = tpu.scan <sum>, %parallel_loop3A_326 masked %parallel_loop3A_328 : vector<16xf32>, vector<16xi1> -> vector<16xf32>
      %parallel_loop3A_330 = vector.extract %parallel_loop3A_329[15] : f32 from vector<16xf32>
      %parallel_loop3A_331 = arith.constant 12 : i32
      %parallel_loop3A_332 = vector.broadcast %parallel_loop3A_331 : i32 to vector<16xi32>
      %parallel_loop3A_333 = arith.cmpi eq, %iota3A, %parallel_loop3A_332 : vector<16xi32>
      %parallel_loop3A_334 = vector.broadcast %parallel_loop3A_330 : f32 to vector<16xf32>
      %parallel_loop3A_335 = arith.select %parallel_loop3A_333, %parallel_loop3A_334, %parallel_loop3A_318 : vector<16xi1>, vector<16xf32>
      %parallel_loop3A_336 = arith.constant 16 : i32
      %parallel_loop3A_337 = arith.muli %parallel_loop3A_112, %parallel_loop3A_336 : i32
      %parallel_loop3A_338 = arith.constant 13 : i32
      %parallel_loop3A_339 = arith.addi %parallel_loop3A_337, %parallel_loop3A_338 : i32
      %parallel_loop3A_340 = arith.constant 16 : i32
      %parallel_loop3A_341 = arith.muli %parallel_loop3A_339, %parallel_loop3A_340 : i32
      %parallel_loop3A_342 = arith.index_cast %parallel_loop3A_341 : i32 to index
      %parallel_loop3A_343 = tpu.vector_load %arg6[%parallel_loop3A_342] {strides = array<i32>} : memref<4096xf32, #tpu.memory_space<vmem>>, vector<16xf32>,
      %parallel_loop3A_344 = arith.constant true
      %parallel_loop3A_345 = vector.broadcast %parallel_loop3A_344 : i1 to vector<16xi1>
      %parallel_loop3A_346 = tpu.scan <sum>, %parallel_loop3A_343 masked %parallel_loop3A_345 : vector<16xf32>, vector<16xi1> -> vector<16xf32>
      %parallel_loop3A_347 = vector.extract %parallel_loop3A_346[15] : f32 from vector<16xf32>
      %parallel_loop3A_348 = arith.constant 13 : i32
      %parallel_loop3A_349 = vector.broadcast %parallel_loop3A_348 : i32 to vector<16xi32>
      %parallel_loop3A_350 = arith.cmpi eq, %iota3A, %parallel_loop3A_349 : vector<16xi32>
      %parallel_loop3A_351 = vector.broadcast %parallel_loop3A_347 : f32 to vector<16xf32>
      %parallel_loop3A_352 = arith.select %parallel_loop3A_350, %parallel_loop3A_351, %parallel_loop3A_335 : vector<16xi1>, vector<16xf32>
      %parallel_loop3A_353 = arith.constant 16 : i32
      %parallel_loop3A_354 = arith.muli %parallel_loop3A_112, %parallel_loop3A_353 : i32
      %parallel_loop3A_355 = arith.constant 14 : i32
      %parallel_loop3A_356 = arith.addi %parallel_loop3A_354, %parallel_loop3A_355 : i32
      %parallel_loop3A_357 = arith.constant 16 : i32
      %parallel_loop3A_358 = arith.muli %parallel_loop3A_356, %parallel_loop3A_357 : i32
      %parallel_loop3A_359 = arith.index_cast %parallel_loop3A_358 : i32 to index
      %parallel_loop3A_360 = tpu.vector_load %arg6[%parallel_loop3A_359] {strides = array<i32>} : memref<4096xf32, #tpu.memory_space<vmem>>, vector<16xf32>,
      %parallel_loop3A_361 = arith.constant true
      %parallel_loop3A_362 = vector.broadcast %parallel_loop3A_361 : i1 to vector<16xi1>
      %parallel_loop3A_363 = tpu.scan <sum>, %parallel_loop3A_360 masked %parallel_loop3A_362 : vector<16xf32>, vector<16xi1> -> vector<16xf32>
      %parallel_loop3A_364 = vector.extract %parallel_loop3A_363[15] : f32 from vector<16xf32>
      %parallel_loop3A_365 = arith.constant 14 : i32
      %parallel_loop3A_366 = vector.broadcast %parallel_loop3A_365 : i32 to vector<16xi32>
      %parallel_loop3A_367 = arith.cmpi eq, %iota3A, %parallel_loop3A_366 : vector<16xi32>
      %parallel_loop3A_368 = vector.broadcast %parallel_loop3A_364 : f32 to vector<16xf32>
      %parallel_loop3A_369 = arith.select %parallel_loop3A_367, %parallel_loop3A_368, %parallel_loop3A_352 : vector<16xi1>, vector<16xf32>
      %parallel_loop3A_370 = arith.constant 16 : i32
      %parallel_loop3A_371 = arith.muli %parallel_loop3A_112, %parallel_loop3A_370 : i32
      %parallel_loop3A_372 = arith.constant 15 : i32
      %parallel_loop3A_373 = arith.addi %parallel_loop3A_371, %parallel_loop3A_372 : i32
      %parallel_loop3A_374 = arith.constant 16 : i32
      %parallel_loop3A_375 = arith.muli %parallel_loop3A_373, %parallel_loop3A_374 : i32
      %parallel_loop3A_376 = arith.index_cast %parallel_loop3A_375 : i32 to index
      %parallel_loop3A_377 = tpu.vector_load %arg6[%parallel_loop3A_376] {strides = array<i32>} : memref<4096xf32, #tpu.memory_space<vmem>>, vector<16xf32>,
      %parallel_loop3A_378 = arith.constant true
      %parallel_loop3A_379 = vector.broadcast %parallel_loop3A_378 : i1 to vector<16xi1>
      %parallel_loop3A_380 = tpu.scan <sum>, %parallel_loop3A_377 masked %parallel_loop3A_379 : vector<16xf32>, vector<16xi1> -> vector<16xf32>
      %parallel_loop3A_381 = vector.extract %parallel_loop3A_380[15] : f32 from vector<16xf32>
      %parallel_loop3A_382 = arith.constant 15 : i32
      %parallel_loop3A_383 = vector.broadcast %parallel_loop3A_382 : i32 to vector<16xi32>
      %parallel_loop3A_384 = arith.cmpi eq, %iota3A, %parallel_loop3A_383 : vector<16xi32>
      %parallel_loop3A_385 = vector.broadcast %parallel_loop3A_381 : f32 to vector<16xf32>
      %parallel_loop3A_386 = arith.select %parallel_loop3A_384, %parallel_loop3A_385, %parallel_loop3A_369 : vector<16xi1>, vector<16xf32>
      %parallel_loop3A_387 = arith.constant 16 : i32
      %parallel_loop3A_388 = arith.muli %parallel_loop3A_112, %parallel_loop3A_387 : i32
      %parallel_loop3A_389 = arith.index_cast %parallel_loop3A_388 : i32 to index
      %parallel_loop3A_390 = tpu.vector_load %arg7[%parallel_loop3A_389] {strides = array<i32>} : memref<256xf32, #tpu.memory_space<vmem>>, vector<16xf32>,
      tpu.vector_store %arg7[%parallel_loop3A_389], %parallel_loop3A_386 {strides = array<i32>} : memref<256xf32, #tpu.memory_space<vmem>>, vector<16xf32>,
    } {sc.loop_unroll_factor = 2 : i64, sc.parallel_access}
    "tpu.region"() ({
      %run_scoped3A = tpu.sem_alloc : memref<!tpu.dma_semaphore, #tpu.memory_space<semaphore_mem>>
      %dma_start3A_112 = arith.constant 0 : i32
      %dma_start3A_113 = tpu.memref_slice %arg3[%add3A, %dma_start3A_112] : memref<32x256xf32, #tpu.memory_space<hbm>> -> memref<1x256xf32, #tpu.memory_space<hbm>>
      %dma_start3A_114 = tpu.memref_squeeze %dma_start3A_113 : memref<1x256xf32, #tpu.memory_space<hbm>> -> memref<256xf32, #tpu.memory_space<hbm>>
      %dma_start3A_115 = arith.constant 0 : i32
      %dma_start3A_116 = tpu.memref_slice %arg3[%add3A, %dma_start3A_115] : memref<32x256xf32, #tpu.memory_space<hbm>> -> memref<1x256xf32, #tpu.memory_space<hbm>>
      %dma_start3A_117 = tpu.memref_squeeze %dma_start3A_116 : memref<1x256xf32, #tpu.memory_space<hbm>> -> memref<256xf32, #tpu.memory_space<hbm>>
      tpu.enqueue_dma source(%arg7 : memref<256xf32, #tpu.memory_space<vmem>>) target(%dma_start3A_117 : memref<256xf32, #tpu.memory_space<hbm>>) target_semaphore(%run_scoped3A : memref<!tpu.dma_semaphore, #tpu.memory_space<semaphore_mem>>)
      %dma_wait3A_118 = arith.constant 0 : i32
      %dma_wait3A_119 = tpu.memref_slice %arg3[%add3A, %dma_wait3A_118] : memref<32x256xf32, #tpu.memory_space<hbm>> -> memref<1x256xf32, #tpu.memory_space<hbm>>
      %dma_wait3A_120 = tpu.memref_squeeze %dma_wait3A_119 : memref<1x256xf32, #tpu.memory_space<hbm>> -> memref<256xf32, #tpu.memory_space<hbm>>
      %dma_wait3A_121 = arith.constant 0 : i32
      %dma_wait3A_122 = tpu.memref_slice %arg3[%add3A, %dma_wait3A_121] : memref<32x256xf32, #tpu.memory_space<hbm>> -> memref<1x256xf32, #tpu.memory_space<hbm>>
      %dma_wait3A_123 = tpu.memref_squeeze %dma_wait3A_122 : memref<1x256xf32, #tpu.memory_space<hbm>> -> memref<256xf32, #tpu.memory_space<hbm>>
      tpu.wait_dma2 semaphore(%run_scoped3A : memref<!tpu.dma_semaphore, #tpu.memory_space<semaphore_mem>>) src(%arg7 : memref<256xf32, #tpu.memory_space<vmem>>) dst(%dma_wait3A_123 : memref<256xf32, #tpu.memory_space<hbm>>)
      tpu.yield
    }) : () -> ()
    return
  }
}

module attributes {stable_mosaic.version = 14 : i64} {
  func.func @_lbp_body(%arg0: i32, %arg1: memref<1x3x512x512xf32, #tpu.memory_space<vmem>>, %arg2: memref<1x1x512x512xf32, #tpu.memory_space<vmem>>, %arg3: memref<1x2048x128xf32, #tpu.memory_space<vmem>>) attributes {dimension_semantics = [#tpu.dimension_semantics<arbitrary>], iteration_bounds = array<i64: 8>, scalar_prefetch = 0 : i64, scratch_operands = 0 : i64, tpu.core_type = #tpu.core_type<tc>, window_params = [{transform_indices = @transform_0, window_bounds = array<i64: 1, 3, 512, 512>}, {transform_indices = @transform_1, window_bounds = array<i64: 1, 1, 512, 512>}, {transform_indices = @transform_2, window_bounds = array<i64: 1, 2048, 128>}]} {
    %get3A = arith.constant 0 : index
    %get3A_0 = arith.constant 0 : index
    %get3A_1 = arith.constant 0 : index
    %get3A_2 = arith.constant 0 : index
    %get3A_3 = vector.load %arg1[%get3A, %get3A_0, %get3A_1, %get3A_2] : memref<1x3x512x512xf32, #tpu.memory_space<vmem>>, vector<1x3x512x512xf32>
    %get3A_4 = vector.shape_cast %get3A_3 : vector<1x3x512x512xf32> to vector<3x512x512xf32>
    %slice3A = vector.extract_strided_slice %get3A_4 {offsets = [0, 0, 0], sizes = [1, 512, 512], strides = [1, 1, 1]} : vector<3x512x512xf32> to vector<1x512x512xf32>
    %squeeze3A = vector.shape_cast %slice3A : vector<1x512x512xf32> to vector<512x512xf32>
    %mul3A = arith.constant 2.990000e-01 : f32
    %mul3A_5 = vector.broadcast %mul3A : f32 to vector<512x512xf32>
    %mul3A_6 = arith.mulf %mul3A_5, %squeeze3A : vector<512x512xf32>
    %slice3A_7 = vector.extract_strided_slice %get3A_4 {offsets = [1, 0, 0], sizes = [1, 512, 512], strides = [1, 1, 1]} : vector<3x512x512xf32> to vector<1x512x512xf32>
    %squeeze3A_8 = vector.shape_cast %slice3A_7 : vector<1x512x512xf32> to vector<512x512xf32>
    %mul3A_9 = arith.constant 5.870000e-01 : f32
    %mul3A_10 = vector.broadcast %mul3A_9 : f32 to vector<512x512xf32>
    %mul3A_11 = arith.mulf %mul3A_10, %squeeze3A_8 : vector<512x512xf32>
    %add3A = arith.addf %mul3A_6, %mul3A_11 : vector<512x512xf32>
    %slice3A_12 = vector.extract_strided_slice %get3A_4 {offsets = [2, 0, 0], sizes = [1, 512, 512], strides = [1, 1, 1]} : vector<3x512x512xf32> to vector<1x512x512xf32>
    %squeeze3A_13 = vector.shape_cast %slice3A_12 : vector<1x512x512xf32> to vector<512x512xf32>
    %mul3A_14 = arith.constant 1.140000e-01 : f32
    %mul3A_15 = vector.broadcast %mul3A_14 : f32 to vector<512x512xf32>
    %mul3A_16 = arith.mulf %mul3A_15, %squeeze3A_13 : vector<512x512xf32>
    %add3A_17 = arith.addf %add3A, %mul3A_16 : vector<512x512xf32>
    %convert_element_type3A = arith.truncf %add3A_17 : vector<512x512xf32> to vector<512x512xbf16>
    %jit3A = arith.constant 0 : i32
    %convert_element_type3A_18 = arith.sitofp %jit3A : i32 to bf16
    %pad3A = vector.broadcast %convert_element_type3A_18 : bf16 to vector<1x512xbf16>
    %pad3A_19 = tpu.concatenate %pad3A, %convert_element_type3A in 0 : vector<1x512xbf16>, vector<512x512xbf16> -> vector<513x512xbf16>
    %pad3A_20 = vector.broadcast %convert_element_type3A_18 : bf16 to vector<1x512xbf16>
    %pad3A_21 = tpu.concatenate %pad3A_19, %pad3A_20 in 0 : vector<513x512xbf16>, vector<1x512xbf16> -> vector<514x512xbf16>
    %pad3A_22 = vector.broadcast %convert_element_type3A_18 : bf16 to vector<514x1xbf16>
    %pad3A_23 = tpu.concatenate %pad3A_22, %pad3A_21 in 1 : vector<514x1xbf16>, vector<514x512xbf16> -> vector<514x513xbf16>
    %slice3A_24 = vector.extract_strided_slice %pad3A_23 {offsets = [0, 0], sizes = [514, 512], strides = [1, 1]} : vector<514x513xbf16> to vector<514x512xbf16>
    %jit3A_25 = arith.constant 0 : i32
    %convert_element_type3A_26 = arith.sitofp %jit3A_25 : i32 to bf16
    %pad3A_27 = vector.broadcast %convert_element_type3A_26 : bf16 to vector<1x512xbf16>
    %pad3A_28 = tpu.concatenate %pad3A_27, %convert_element_type3A in 0 : vector<1x512xbf16>, vector<512x512xbf16> -> vector<513x512xbf16>
    %pad3A_29 = vector.broadcast %convert_element_type3A_26 : bf16 to vector<1x512xbf16>
    %pad3A_30 = tpu.concatenate %pad3A_28, %pad3A_29 in 0 : vector<513x512xbf16>, vector<1x512xbf16> -> vector<514x512xbf16>
    %jit3A_31 = arith.constant 0 : i32
    %convert_element_type3A_32 = arith.sitofp %jit3A_31 : i32 to bf16
    %pad3A_33 = vector.broadcast %convert_element_type3A_32 : bf16 to vector<1x512xbf16>
    %pad3A_34 = tpu.concatenate %pad3A_33, %convert_element_type3A in 0 : vector<1x512xbf16>, vector<512x512xbf16> -> vector<513x512xbf16>
    %pad3A_35 = vector.broadcast %convert_element_type3A_32 : bf16 to vector<1x512xbf16>
    %pad3A_36 = tpu.concatenate %pad3A_34, %pad3A_35 in 0 : vector<513x512xbf16>, vector<1x512xbf16> -> vector<514x512xbf16>
    %pad3A_37 = vector.broadcast %convert_element_type3A_32 : bf16 to vector<514x1xbf16>
    %pad3A_38 = tpu.concatenate %pad3A_36, %pad3A_37 in 1 : vector<514x512xbf16>, vector<514x1xbf16> -> vector<514x513xbf16>
    %slice3A_39 = vector.extract_strided_slice %pad3A_38 {offsets = [0, 1], sizes = [514, 512], strides = [1, 1]} : vector<514x513xbf16> to vector<514x512xbf16>
    %broadcast_in_dim3A = arith.constant 0.000000e+00 : bf16
    %broadcast_in_dim3A_40 = vector.broadcast %broadcast_in_dim3A : bf16 to vector<512x512xbf16>
    %slice3A_41 = vector.extract_strided_slice %slice3A_39 {offsets = [0, 0], sizes = [512, 512], strides = [1, 1]} : vector<514x512xbf16> to vector<512x512xbf16>
    %sub3A = arith.subf %slice3A_41, %convert_element_type3A : vector<512x512xbf16>
    %ge3A = arith.constant 0.000000e+00 : bf16
    %ge3A_42 = vector.broadcast %ge3A : bf16 to vector<512x512xbf16>
    %ge3A_43 = arith.cmpf oge, %sub3A, %ge3A_42 : vector<512x512xbf16>
    %jit3A_44 = arith.constant 1.000000e+00 : bf16
    %jit3A_45 = arith.constant 0.000000e+00 : bf16
    %broadcast_in_dim3A_46 = vector.broadcast %jit3A_44 : bf16 to vector<512x512xbf16>
    %broadcast_in_dim3A_47 = vector.broadcast %jit3A_45 : bf16 to vector<512x512xbf16>
    %select_n3A = arith.select %ge3A_43, %broadcast_in_dim3A_46, %broadcast_in_dim3A_47 : vector<512x512xi1>, vector<512x512xbf16>
    %add3A_48 = arith.addf %broadcast_in_dim3A_40, %select_n3A : vector<512x512xbf16>
    %slice3A_49 = vector.extract_strided_slice %slice3A_39 {offsets = [1, 0], sizes = [512, 512], strides = [1, 1]} : vector<514x512xbf16> to vector<512x512xbf16>
    %sub3A_50 = arith.subf %slice3A_49, %convert_element_type3A : vector<512x512xbf16>
    %ge3A_51 = arith.constant 0.000000e+00 : bf16
    %ge3A_52 = vector.broadcast %ge3A_51 : bf16 to vector<512x512xbf16>
    %ge3A_53 = arith.cmpf oge, %sub3A_50, %ge3A_52 : vector<512x512xbf16>
    %jit3A_54 = arith.constant 2.000000e+00 : bf16
    %jit3A_55 = arith.constant 0.000000e+00 : bf16
    %broadcast_in_dim3A_56 = vector.broadcast %jit3A_54 : bf16 to vector<512x512xbf16>
    %broadcast_in_dim3A_57 = vector.broadcast %jit3A_55 : bf16 to vector<512x512xbf16>
    %select_n3A_58 = arith.select %ge3A_53, %broadcast_in_dim3A_56, %broadcast_in_dim3A_57 : vector<512x512xi1>, vector<512x512xbf16>
    %add3A_59 = arith.addf %add3A_48, %select_n3A_58 : vector<512x512xbf16>
    %slice3A_60 = vector.extract_strided_slice %slice3A_39 {offsets = [2, 0], sizes = [512, 512], strides = [1, 1]} : vector<514x512xbf16> to vector<512x512xbf16>
    %sub3A_61 = arith.subf %slice3A_60, %convert_element_type3A : vector<512x512xbf16>
    %ge3A_62 = arith.constant 0.000000e+00 : bf16
    %ge3A_63 = vector.broadcast %ge3A_62 : bf16 to vector<512x512xbf16>
    %ge3A_64 = arith.cmpf oge, %sub3A_61, %ge3A_63 : vector<512x512xbf16>
    %jit3A_65 = arith.constant 4.000000e+00 : bf16
    %jit3A_66 = arith.constant 0.000000e+00 : bf16
    %broadcast_in_dim3A_67 = vector.broadcast %jit3A_65 : bf16 to vector<512x512xbf16>
    %broadcast_in_dim3A_68 = vector.broadcast %jit3A_66 : bf16 to vector<512x512xbf16>
    %select_n3A_69 = arith.select %ge3A_64, %broadcast_in_dim3A_67, %broadcast_in_dim3A_68 : vector<512x512xi1>, vector<512x512xbf16>
    %add3A_70 = arith.addf %add3A_59, %select_n3A_69 : vector<512x512xbf16>
    %slice3A_71 = vector.extract_strided_slice %pad3A_30 {offsets = [2, 0], sizes = [512, 512], strides = [1, 1]} : vector<514x512xbf16> to vector<512x512xbf16>
    %sub3A_72 = arith.subf %slice3A_71, %convert_element_type3A : vector<512x512xbf16>
    %ge3A_73 = arith.constant 0.000000e+00 : bf16
    %ge3A_74 = vector.broadcast %ge3A_73 : bf16 to vector<512x512xbf16>
    %ge3A_75 = arith.cmpf oge, %sub3A_72, %ge3A_74 : vector<512x512xbf16>
    %jit3A_76 = arith.constant 8.000000e+00 : bf16
    %jit3A_77 = arith.constant 0.000000e+00 : bf16
    %broadcast_in_dim3A_78 = vector.broadcast %jit3A_76 : bf16 to vector<512x512xbf16>
    %broadcast_in_dim3A_79 = vector.broadcast %jit3A_77 : bf16 to vector<512x512xbf16>
    %select_n3A_80 = arith.select %ge3A_75, %broadcast_in_dim3A_78, %broadcast_in_dim3A_79 : vector<512x512xi1>, vector<512x512xbf16>
    %add3A_81 = arith.addf %add3A_70, %select_n3A_80 : vector<512x512xbf16>
    %slice3A_82 = vector.extract_strided_slice %slice3A_24 {offsets = [2, 0], sizes = [512, 512], strides = [1, 1]} : vector<514x512xbf16> to vector<512x512xbf16>
    %sub3A_83 = arith.subf %slice3A_82, %convert_element_type3A : vector<512x512xbf16>
    %ge3A_84 = arith.constant 0.000000e+00 : bf16
    %ge3A_85 = vector.broadcast %ge3A_84 : bf16 to vector<512x512xbf16>
    %ge3A_86 = arith.cmpf oge, %sub3A_83, %ge3A_85 : vector<512x512xbf16>
    %jit3A_87 = arith.constant 1.600000e+01 : bf16
    %jit3A_88 = arith.constant 0.000000e+00 : bf16
    %broadcast_in_dim3A_89 = vector.broadcast %jit3A_87 : bf16 to vector<512x512xbf16>
    %broadcast_in_dim3A_90 = vector.broadcast %jit3A_88 : bf16 to vector<512x512xbf16>
    %select_n3A_91 = arith.select %ge3A_86, %broadcast_in_dim3A_89, %broadcast_in_dim3A_90 : vector<512x512xi1>, vector<512x512xbf16>
    %add3A_92 = arith.addf %add3A_81, %select_n3A_91 : vector<512x512xbf16>
    %slice3A_93 = vector.extract_strided_slice %slice3A_24 {offsets = [1, 0], sizes = [512, 512], strides = [1, 1]} : vector<514x512xbf16> to vector<512x512xbf16>
    %sub3A_94 = arith.subf %slice3A_93, %convert_element_type3A : vector<512x512xbf16>
    %ge3A_95 = arith.constant 0.000000e+00 : bf16
    %ge3A_96 = vector.broadcast %ge3A_95 : bf16 to vector<512x512xbf16>
    %ge3A_97 = arith.cmpf oge, %sub3A_94, %ge3A_96 : vector<512x512xbf16>
    %jit3A_98 = arith.constant 3.200000e+01 : bf16
    %jit3A_99 = arith.constant 0.000000e+00 : bf16
    %broadcast_in_dim3A_100 = vector.broadcast %jit3A_98 : bf16 to vector<512x512xbf16>
    %broadcast_in_dim3A_101 = vector.broadcast %jit3A_99 : bf16 to vector<512x512xbf16>
    %select_n3A_102 = arith.select %ge3A_97, %broadcast_in_dim3A_100, %broadcast_in_dim3A_101 : vector<512x512xi1>, vector<512x512xbf16>
    %add3A_103 = arith.addf %add3A_92, %select_n3A_102 : vector<512x512xbf16>
    %slice3A_104 = vector.extract_strided_slice %slice3A_24 {offsets = [0, 0], sizes = [512, 512], strides = [1, 1]} : vector<514x512xbf16> to vector<512x512xbf16>
    %sub3A_105 = arith.subf %slice3A_104, %convert_element_type3A : vector<512x512xbf16>
    %ge3A_106 = arith.constant 0.000000e+00 : bf16
    %ge3A_107 = vector.broadcast %ge3A_106 : bf16 to vector<512x512xbf16>
    %ge3A_108 = arith.cmpf oge, %sub3A_105, %ge3A_107 : vector<512x512xbf16>
    %jit3A_109 = arith.constant 6.400000e+01 : bf16
    %jit3A_110 = arith.constant 0.000000e+00 : bf16
    %broadcast_in_dim3A_111 = vector.broadcast %jit3A_109 : bf16 to vector<512x512xbf16>
    %broadcast_in_dim3A_112 = vector.broadcast %jit3A_110 : bf16 to vector<512x512xbf16>
    %select_n3A_113 = arith.select %ge3A_108, %broadcast_in_dim3A_111, %broadcast_in_dim3A_112 : vector<512x512xi1>, vector<512x512xbf16>
    %add3A_114 = arith.addf %add3A_103, %select_n3A_113 : vector<512x512xbf16>
    %slice3A_115 = vector.extract_strided_slice %pad3A_30 {offsets = [0, 0], sizes = [512, 512], strides = [1, 1]} : vector<514x512xbf16> to vector<512x512xbf16>
    %sub3A_116 = arith.subf %slice3A_115, %convert_element_type3A : vector<512x512xbf16>
    %ge3A_117 = arith.constant 0.000000e+00 : bf16
    %ge3A_118 = vector.broadcast %ge3A_117 : bf16 to vector<512x512xbf16>
    %ge3A_119 = arith.cmpf oge, %sub3A_116, %ge3A_118 : vector<512x512xbf16>
    %jit3A_120 = arith.constant 1.280000e+02 : bf16
    %jit3A_121 = arith.constant 0.000000e+00 : bf16
    %broadcast_in_dim3A_122 = vector.broadcast %jit3A_120 : bf16 to vector<512x512xbf16>
    %broadcast_in_dim3A_123 = vector.broadcast %jit3A_121 : bf16 to vector<512x512xbf16>
    %select_n3A_124 = arith.select %ge3A_119, %broadcast_in_dim3A_122, %broadcast_in_dim3A_123 : vector<512x512xi1>, vector<512x512xbf16>
    %add3A_125 = arith.addf %add3A_114, %select_n3A_124 : vector<512x512xbf16>
    %convert_element_type3A_126 = arith.extf %add3A_125 : vector<512x512xbf16> to vector<512x512xf32>
    %reshape3A = vector.shape_cast %convert_element_type3A_126 : vector<512x512xf32> to vector<2048x128xf32>
    %swap3A = arith.constant 0 : index
    %swap3A_127 = arith.constant 0 : index
    %swap3A_128 = arith.constant 0 : index
    %swap3A_129 = vector.load %arg3[%swap3A, %swap3A_127, %swap3A_128] : memref<1x2048x128xf32, #tpu.memory_space<vmem>>, vector<1x2048x128xf32>
    %swap3A_130 = vector.shape_cast %swap3A_129 : vector<1x2048x128xf32> to vector<2048x128xf32>
    %swap3A_131 = vector.shape_cast %reshape3A : vector<2048x128xf32> to vector<1x2048x128xf32>
    tpu.vector_store %arg3[%swap3A, %swap3A_127, %swap3A_128], %swap3A_131 {strides = array<i32>} : memref<1x2048x128xf32, #tpu.memory_space<vmem>>, vector<1x2048x128xf32>,
    %reduce_sum3A = vector.shape_cast %convert_element_type3A_126 : vector<512x512xf32> to vector<1x512x512xf32>
    %reduce_sum3A_132 = arith.constant dense<0.000000e+00> : vector<1xf32>
    %reduce_sum3A_133 = vector.multi_reduction <add>, %reduce_sum3A, %reduce_sum3A_132 [1, 2] : vector<1x512x512xf32> to vector<1xf32>
    %reduce_sum3A_134 = vector.shape_cast %reduce_sum3A_133 : vector<1xf32> to vector<1x1x1xf32>
    %reduce_sum3A_135 = vector.extract %reduce_sum3A_134[0, 0, 0] : f32 from vector<1x1x1xf32>
    %mul3A_136 = arith.mulf %convert_element_type3A_126, %convert_element_type3A_126 : vector<512x512xf32>
    %reduce_sum3A_137 = vector.shape_cast %mul3A_136 : vector<512x512xf32> to vector<1x512x512xf32>
    %reduce_sum3A_138 = arith.constant dense<0.000000e+00> : vector<1xf32>
    %reduce_sum3A_139 = vector.multi_reduction <add>, %reduce_sum3A_137, %reduce_sum3A_138 [1, 2] : vector<1x512x512xf32> to vector<1xf32>
    %reduce_sum3A_140 = vector.shape_cast %reduce_sum3A_139 : vector<1xf32> to vector<1x1x1xf32>
    %reduce_sum3A_141 = vector.extract %reduce_sum3A_140[0, 0, 0] : f32 from vector<1x1x1xf32>
    %div3A = arith.constant 2.621440e+05 : f32
    %div3A_142 = arith.divf %reduce_sum3A_135, %div3A : f32
    %mul3A_143 = arith.mulf %div3A_142, %reduce_sum3A_135 : f32
    %sub3A_144 = arith.subf %reduce_sum3A_141, %mul3A_143 : f32
    %div3A_145 = arith.constant 2.621430e+05 : f32
    %div3A_146 = arith.divf %sub3A_144, %div3A_145 : f32
    %sub3A_147 = vector.broadcast %div3A_142 : f32 to vector<512x512xf32>
    %sub3A_148 = arith.subf %convert_element_type3A_126, %sub3A_147 : vector<512x512xf32>
    %rsqrt3A = math.rsqrt %div3A_146 : f32
    %mul3A_149 = vector.broadcast %rsqrt3A : f32 to vector<512x512xf32>
    %mul3A_150 = arith.mulf %sub3A_148, %mul3A_149 : vector<512x512xf32>
    %swap3A_151 = arith.constant 0 : index
    %swap3A_152 = arith.constant 0 : index
    %swap3A_153 = arith.constant 0 : index
    %swap3A_154 = arith.constant 0 : index
    %swap3A_155 = vector.load %arg2[%swap3A_151, %swap3A_152, %swap3A_153, %swap3A_154] : memref<1x1x512x512xf32, #tpu.memory_space<vmem>>, vector<1x1x512x512xf32>
    %swap3A_156 = vector.shape_cast %swap3A_155 : vector<1x1x512x512xf32> to vector<512x512xf32>
    %swap3A_157 = vector.shape_cast %mul3A_150 : vector<512x512xf32> to vector<1x1x512x512xf32>
    tpu.vector_store %arg2[%swap3A_151, %swap3A_152, %swap3A_153, %swap3A_154], %swap3A_157 {strides = array<i32>} : memref<1x1x512x512xf32, #tpu.memory_space<vmem>>, vector<1x1x512x512xf32>,
    return
  }
  func.func @transform_0(%arg0: i32) -> (i32, i32, i32, i32) {
    %c0_i32 = arith.constant 0 : i32
    %c0_i32_0 = arith.constant 0 : i32
    %c0_i32_1 = arith.constant 0 : i32
    %c0_i32_2 = arith.constant 0 : i32
    return %arg0, %c0_i32, %c0_i32_0, %c0_i32_1 : i32, i32, i32, i32
  }
  func.func @transform_1(%arg0: i32) -> (i32, i32, i32, i32) {
    %c0_i32 = arith.constant 0 : i32
    %c0_i32_0 = arith.constant 0 : i32
    %c0_i32_1 = arith.constant 0 : i32
    %c0_i32_2 = arith.constant 0 : i32
    return %arg0, %c0_i32, %c0_i32_0, %c0_i32_1 : i32, i32, i32, i32
  }
  func.func @transform_2(%arg0: i32) -> (i32, i32, i32) {
    %c0_i32 = arith.constant 0 : i32
    %c0_i32_0 = arith.constant 0 : i32
    %c0_i32_1 = arith.constant 0 : i32
    return %arg0, %c0_i32, %c0_i32_0 : i32, i32, i32
  }
}

module attributes {stable_mosaic.version = 14 : i64} {
  func.func @_hist_norm_body(%arg0: memref<32x256xf32, #tpu.memory_space<vmem>>, %arg1: memref<8x256xf32, #tpu.memory_space<vmem>>) attributes {dimension_semantics = [], scalar_prefetch = 0 : i64, scratch_operands = 0 : i64, tpu.core_type = #tpu.core_type<tc>} {
    %get3A = arith.constant 0 : index
    %get3A_0 = arith.constant 0 : index
    %get3A_1 = vector.load %arg0[%get3A, %get3A_0] : memref<32x256xf32, #tpu.memory_space<vmem>>, vector<32x256xf32>
    %reshape3A = vector.shape_cast %get3A_1 : vector<32x256xf32> to vector<4x8x256xf32>
    %reduce_sum3A = arith.constant dense<0.000000e+00> : vector<8x256xf32>
    %reduce_sum3A_2 = vector.multi_reduction <add>, %reshape3A, %reduce_sum3A [0] : vector<4x8x256xf32> to vector<8x256xf32>
    %reduce_sum3A_3 = arith.constant dense<0.000000e+00> : vector<8xf32>
    %reduce_sum3A_4 = vector.multi_reduction <add>, %reduce_sum3A_2, %reduce_sum3A_3 [1] : vector<8x256xf32> to vector<8xf32>
    %broadcast_in_dim3A = vector.shape_cast %reduce_sum3A_4 : vector<8xf32> to vector<8x1xf32>
    %div3A = arith.constant 2.560000e+02 : f32
    %div3A_5 = vector.broadcast %div3A : f32 to vector<8x1xf32>
    %div3A_6 = arith.divf %broadcast_in_dim3A, %div3A_5 : vector<8x1xf32>
    %sub3A = vector.broadcast %div3A_6 : vector<8x1xf32> to vector<8x256xf32>
    %sub3A_7 = arith.subf %reduce_sum3A_2, %sub3A : vector<8x256xf32>
    %integer_pow3A = arith.mulf %sub3A_7, %sub3A_7 : vector<8x256xf32>
    %reduce_sum3A_8 = arith.constant dense<0.000000e+00> : vector<8xf32>
    %reduce_sum3A_9 = vector.multi_reduction <add>, %integer_pow3A, %reduce_sum3A_8 [1] : vector<8x256xf32> to vector<8xf32>
    %broadcast_in_dim3A_10 = vector.shape_cast %reduce_sum3A_9 : vector<8xf32> to vector<8x1xf32>
    %div3A_11 = arith.constant 2.550000e+02 : f32
    %div3A_12 = vector.broadcast %div3A_11 : f32 to vector<8x1xf32>
    %div3A_13 = arith.divf %broadcast_in_dim3A_10, %div3A_12 : vector<8x1xf32>
    %sub3A_14 = vector.broadcast %div3A_6 : vector<8x1xf32> to vector<8x256xf32>
    %sub3A_15 = arith.subf %reduce_sum3A_2, %sub3A_14 : vector<8x256xf32>
    %rsqrt3A = math.rsqrt %div3A_13 : vector<8x1xf32>
    %mul3A = vector.broadcast %rsqrt3A : vector<8x1xf32> to vector<8x256xf32>
    %mul3A_16 = arith.mulf %sub3A_15, %mul3A : vector<8x256xf32>
    %swap3A = arith.constant 0 : index
    %swap3A_17 = arith.constant 0 : index
    %swap3A_18 = vector.load %arg1[%swap3A, %swap3A_17] : memref<8x256xf32, #tpu.memory_space<vmem>>, vector<8x256xf32>
    tpu.vector_store %arg1[%swap3A, %swap3A_17], %mul3A_16 {strides = array<i32>} : memref<8x256xf32, #tpu.memory_space<vmem>>, vector<8x256xf32>,
    return
  }
}

</mosaic_0001>

<sc_bundles>
// kernel: kernel.5.cloned.1.call-start
scs
__scs_entry_jumppad:
0x0: {  	(pc) =	sbr.rel $0x88, $3  }
0x1: {  	(tag) =	ssettag $0x0;
	lr =	simm.s32 $0x1  }
0x2: {  	[smem:$0x3FA0] =	sst lr;
	_ =	strace $0xD0000000  }
0x3: {  	_ = 	snop  }
0x4: {  	_ = 	snop  }
0x5: {  	_ = 	snop  }
0x6: {  	_ = 	snop  }
0x7: {  	_ = 	snop  }
__scs_overlays_trampoline_lowered:
0x8: {  	[smem:$0x3FAF] =	sst s0  }
0x9: {  	[smem:$0x3FB0] =	sst s1  }
0xa: {  	[smem:$0x3FB1] =	sst s2  }
0xb: {  	[smem:$0x3FB2] =	sst s3  }
0xc: {  	[smem:$0x3FB3] =	sst s4  }
0xd: {  	[smem:$0x3FB4] =	sst s5  }
0xe: {  	[smem:$0x3FB5] =	sst s6  }
0xf: {  	[smem:$0x3FB6] =	sst s7  }
0x10: {  	[smem:$0x3FB7] =	sst s8  }
0x11: {  	[smem:$0x3FB8] =	sst s9;
	s0 =	simm.s32 @!p0 $0x0  }
0x12: {  	s1 =	sld [smem:$0x3F9E];
	s0 =	simm.s32 @p0 $0x1  }
0x13: {  	[smem:$0x3FB9] =	sst s0;
	s0 =	simm.s32 @!p1 $0x0  }
0x14: {  	s2 =	sld [smem:$0x3F9D];
	s0 =	simm.s32 @p1 $0x1  }
0x15: {  	[smem:$0x3FBA] =	sst s0;
	s0 =	simm.s32 @!p2 $0x0  }
0x16: {  	s3 =	sld [smem:$0x3FDB];
	s0 =	simm.s32 @p2 $0x1  }
0x17: {  	s4 =	simm.s32 $0x1BF5;
	[smem:$0x3FBC] =	sst s0  }
0x18: {  	s0 =	sld [smem:$0x3F9F];
	_ =	swait.ge [sflag:s4], $0x0  }
0x19: {  	s7 =	sld [smem:$0x3FA0]  }
0x1a: {  	s8 =	sadd.s32 $0xFFFFE003, lr  }
0x1b: {  	s9 =	sadd.s32 $0xFFFFFEF7, lr;
	s5 =	simm.s32 $0xFFFFFFFF;
	p2 =	slt.u32 s8, $0xFFFFF086  }
0x1c: {  	p1 =	slt.u32 s9, $0xF7A;
	s5 =	simm.s32 @!p2 $0x0  }
0x1d: {  	s5 =	simm.s32 @p1 $0x1;
	p0 =	seq.s32 s7, s2  }
0x1e: {  	s7 =	smul.u32 @!p0 $0xF7A, s2;
	p2 =	seq.s32 @!p0 s5, $0x0  }
0x1f: {  	s9 =	smul.u32 $0xF7A, s1;
	s8 =	simm.s32 @!p0 $0x1BF5;
	p2 =	por !p2, p0  }
0x20: {  	[sflag:s8] =	ssyncset.s32 @!p0 $0xFFFFF086;
	s6 =	sadd.s32 @!p0 s3, s7;
	s7 =	simm.s32 @!p0 $0x108  }
0x21: {  	s3 =	sadd.s32 s3, s9;
	s6 =	sadd.s32 @!p0 $0x88, s6;
	s7 =	simm.s32 @p2 $0x1082  }
0x22: {  	[simem:s7], [sflag:s8] =	dma.local @!p0 [hbm:s6], $0xF7A  }
0x23: {  	s9 =	sor.u32 $0xD0000000, s2;
	s6 =	simm.s32 $0x108;
	_ =	swait.ge @!p0 [sflag:s8], $0x0  }
0x24: {  	s3 =	sadd.s32 $0x88, s3;
	s6 =	simm.s32 @!p1 $0x1082;
	[sflag:s4] =	ssyncset.s32 $0xFFFFF086  }
0x25: {  	[simem:s6], [sflag:s4] =	dma.local [hbm:s3], $0xF7A  }
0x26: {  	[smem:$0x3FA0] =	sst s1;
	(tag) =	ssettag s2;
	_ =	strace s9  }
0x27: {  	s1 =	sld [smem:$0x3FB0]  }
0x28: {  	s2 =	sld [smem:$0x3FB1]  }
0x29: {  	s4 =	sld [smem:$0x3FB3]  }
0x2a: {  	p0 =	seq.s32 s5, $0x0;
	s5 =	sld [smem:$0x3FB4]  }
0x2b: {  	s6 =	sld [smem:$0x3FB5]  }
0x2c: {  	s7 =	sld [smem:$0x3FB6]  }
0x2d: {  	s3 =	simm.s32 $0x108;
	s8 =	sld [smem:$0x3FB7]  }
0x2e: {  	s3 =	simm.s32 @!p0 $0x1082;
	s9 =	sld [smem:$0x3FB8]  }
0x2f: {  	lr =	sadd.s32 s0, s3;
	s0 =	sld [smem:$0x3FAF]  }
0x30: {  	s3 =	sld [smem:$0x3FB2]  }
0x31: {  	[smem:$0x3FBB] =	sst s10  }
0x32: {  	s10 =	sld [smem:$0x3FB9];
	_ =	sdelay $0x3  }
0x33: {  	p0 =	seq.s32 s10, $0x1;
	s10 =	sld [smem:$0x3FBB];
	_ =	sdelay $0x3  }
0x34: {  	[smem:$0x3FBB] =	sst s10  }
0x35: {  	s10 =	sld [smem:$0x3FBA];
	_ =	sdelay $0x3  }
0x36: {  	p1 =	seq.s32 s10, $0x1;
	s10 =	sld [smem:$0x3FBB];
	_ =	sdelay $0x3  }
0x37: {  	[smem:$0x3FBB] =	sst s10  }
0x38: {  	s10 =	sld [smem:$0x3FBC]  }
0x39: {  	_ = 	snop;
	(pc) =	sbr.ind lr, $3  }
0x3a: {  	_ = 	snop  }
0x3b: {  	_ = 	snop  }
0x3c: {  	p2 =	seq.s32 s10, $0x1;
	s10 =	sld [smem:$0x3FBB]  }
0x3d: {  	_ =	shalt  }
0x3e: {  	_ =	shalt  }
0x3f: {  	_ =	shalt  }
0x40: {  	_ =	shalt  }
0x41: {  	_ =	shalt  }
0x42: {  	_ =	shalt  }
0x43: {  	_ =	shalt  }
0x44: {  	_ =	shalt  }
0x45: {  	_ =	shalt  }
0x46: {  	_ =	shalt  }
0x47: {  	_ =	shalt  }
0x48: {  	_ =	shalt  }
0x49: {  	_ =	shalt  }
0x4a: {  	_ =	shalt  }
0x4b: {  	_ =	shalt  }
0x4c: {  	_ =	shalt  }
0x4d: {  	_ =	shalt  }
0x4e: {  	_ =	shalt  }
0x4f: {  	_ =	shalt  }
0x50: {  	_ =	shalt  }
0x51: {  	_ =	shalt  }
0x52: {  	_ =	shalt  }
0x53: {  	_ =	shalt  }
0x54: {  	_ =	shalt  }
0x55: {  	_ =	shalt  }
0x56: {  	_ =	shalt  }
0x57: {  	_ =	shalt  }
0x58: {  	_ =	shalt  }
0x59: {  	_ =	shalt  }
0x5a: {  	_ =	shalt  }
0x5b: {  	_ =	shalt  }
0x5c: {  	_ =	shalt  }
0x5d: {  	_ =	shalt  }
0x5e: {  	_ =	shalt  }
0x5f: {  	_ =	shalt  }
0x60: {  	_ =	shalt  }
0x61: {  	_ =	shalt  }
0x62: {  	_ =	shalt  }
0x63: {  	_ =	shalt  }
0x64: {  	_ =	shalt  }
0x65: {  	_ =	shalt  }
0x66: {  	_ =	shalt  }
0x67: {  	_ =	shalt  }
0x68: {  	_ =	shalt  }
0x69: {  	_ =	shalt  }
0x6a: {  	_ =	shalt  }
0x6b: {  	_ =	shalt  }
0x6c: {  	_ =	shalt  }
0x6d: {  	_ =	shalt  }
0x6e: {  	_ =	shalt  }
0x6f: {  	_ =	shalt  }
0x70: {  	_ =	shalt  }
0x71: {  	_ =	shalt  }
0x72: {  	_ =	shalt  }
0x73: {  	_ =	shalt  }
0x74: {  	_ =	shalt  }
0x75: {  	_ =	shalt  }
0x76: {  	_ =	shalt  }
0x77: {  	_ =	shalt  }
0x78: {  	_ =	shalt  }
0x79: {  	_ =	shalt  }
0x7a: {  	_ =	shalt  }
0x7b: {  	_ =	shalt  }
0x7c: {  	_ =	shalt  }
0x7d: {  	_ =	shalt  }
0x7e: {  	_ =	shalt  }
0x7f: {  	_ =	shalt  }
0x80: {  	_ =	shalt  }
0x81: {  	_ =	shalt  }
0x82: {  	_ =	shalt  }
0x83: {  	_ =	shalt  }
0x84: {  	_ =	shalt  }
0x85: {  	_ =	shalt  }
0x86: {  	_ =	shalt  }
0x87: {  	_ =	shalt  }
.Lfunc_end0:
.L_simem_size_0:
called_computation_lowered:
.L_overlay_start_0:
0x88: {  	s2 =	sld [smem:$0x3FD9]  }
0x89: {  	s3 =	sld [smem:$0x3FFE];
	_ =	sdelay $0x1  }
0x8a: {  	s1 =	srdreg.scid  }
0x8b: {  	s0 =	sand.u32 $0x1, s1  }
0x8c: {  	s16 =	sshll.u32 s0, $0xA;
	s2 =	sadd.s32 s3, s2  }
0x8d: {  	s2 =	sadd.s32 s2, s16  }
0x8e: {  	[smem:$0x3FC7] =	sst s2  }
0x8f: {  	_ = 	snop  }
0x90: {  	(tm) =	ssettm $0x1  }
0x91: {  	s17 =	sld [smem:$0x3FFB];
	_ =	sdelay $0x3  }
0x92: {  	_ =	strace s17  }
0x93: {  	s2 =	sld [smem:$0x3FFC];
	_ =	sdelay $0x3  }
0x94: {  	_ =	strace s2  }
0x95: {  	s2 =	sld [smem:$0x3FFD];
	_ =	sdelay $0x3  }
0x96: {  	_ =	strace s2  }
0x97: {  	_ =	strace $0x8FFFFFFF  }
0x98: {  	s18 =	sld [smem:$0x3FDB];
	_ =	sdelay $0x1  }
0x99: {  	s19 =	simm.s32 $_scs_section_size  }
0x9a: {  	s4 =	simm.s32 $_size__tile_overlayer_lowered;
	s5 =	simm.s32 $_tile_overlayer_lowered  }
0x9b: {  	s22 =	simm.s32 $0x1BFF;
	s21 =	sshll.u32 s5, $0x1;
	s2 =	sadd.s32 s19, s18  }
0x9c: {  	s6 =	simm.s32 $0x0;
	s20 =	sshll.u32 s4, $0x1;
	s4 =	sadd.s32 s21, s2  }
0x9d: {  	[timem:s6], [sflag:s22] =	dma.local [hbm:s4], s20  }
0x9e: {  	_ =	swait.ge [sflag:s22], s20  }
0x9f: {  	s3 =	ssub.s32 $0x0, s20;
	[sflag:s22] =	ssyncset.done $0x0  }
0xa0: {  	[sflag:s22] =	ssyncadd.s32 s3;
	_ =	sdelay $0x1  }
0xa1: {  	s23 =	simm.s32 $0x1B8B  }
0xa2: {  	_ =	swait.ge [sflag:s23], $0x1  }
0xa3: {  	[sflag:s23] =	ssyncset.done $0x0  }
0xa4: {  	s25 =	simm.s32 $0x1B8E;
	s24 =	sld [smem:$0x3FFE];
	[sflag:s23] =	ssyncadd.s32 $0xFFFFFFFF  }
0xa5: {  	s26 =	simm.s32 $execute0_lowered;
	[smem:$0x3FD2] =	sst s25  }
0xa6: {  	s4 =	sshll.u32 s26, $0x1;
	_ =	strace $0x80000046;
	[dreg:$0x1] =	wrdreg $0xFFFFFFFF  }
0xa7: {  	s28 =	simm.s32 $_size_execute0_lowered;
	s2 =	sadd.s32 s2, s4;
	[dreg:$0x0] =	wrdreg $0x0  }
0xa8: {  	s4 =	sshll.u32 s28, $0x1;
	[dreg:$0x2] =	wrdreg s2  }
0xa9: {  	[dreg:$0x3] =	wrdreg s4  }
0xaa: {  	[dreg:$0x4] =	wrdreg $0xC0  }
0xab: {  	_ =	task [dreg:s6], $0x5FFFF  }
0xac: {  	[dreg:$0x1] =	wrdreg $0xFFFFFFFF  }
0xad: {  	[dreg:$0x0] =	wrdreg $0x60  }
0xae: {  	[dreg:$0x2] =	wrdreg s24  }
0xaf: {  	[dreg:$0x3] =	wrdreg $0x9  }
0xb0: {  	_ =	task.clear_ibuf [dreg:s6], $0x4FFFF;
	_ =	strace $0x90000046  }
0xb1: {  	s29 =	simm.s32 $0x9;
	_ =	strace $0x80000048  }
0xb2: {  	_ =	swait.ge [sflag:s29], $0x1  }
0xb3: {  	[sflag:s29] =	ssyncadd.s32 $0xFFFFFFFF  }
0xb4: {  	_ =	strace $0x90000048  }
0xb5: {  	_ =	sfence  }
0xb6: {  	s30 =	sld [smem:$0x0];
	_ =	sdelay $0x2  }
0xb7: {  	s31 =	sshll.u32 s1, $0xD;
	s1 =	sshrl.u32 s1, $0x2  }
0xb8: {  	s3 =	sand.u32 $0x4000, s31;
	s1 =	sadd.s32 s1, s30  }
0xb9: {  	s0 =	sor.u32 s3, s0;
	s1 =	sshll.u32 s1, $0x11  }
0xba: {  	s0 =	sor.u32 s1, s0  }
0xbb: {  	s0 =	sadd.s32 $0x8F2B, s0  }
0xbc: {  	[sflag:s0] =	ssyncadd.remote.s32 $0x1  }
0xbd: {  	_ =	sfence.sel $0xFFFF  }
0xbe: {  	[dreg:$0x0] =	wrdreg $0xFFFFFFFF;
	(pc) =	sbr.abs _section_cstart, $3  }
0xbf: {  	[dreg:$0x1] =	wrdreg $0xFFFFFFFF  }
0xc0: {  	_ =	task.clear_ibuf [dreg:s6], $0x2FFFF;
	_ =	strace $0x9FFFFFFF  }
0xc1: {  	(tm) =	ssettm $0x7FFFFFFF  }
tec
execute0_lowered:
.L_overlay_start_1:
0x0: {  	(tag) =	ssettag $0x1  }
0x1: {  	s1 =	srdreg.scid  }
0x2: {  	s0 =	stileid.u32;
	s3 =	rddreg [dreg:$0x0];
	s2 =	simm.s32 $0x0  }
0x3: {  	s14 =	simm.s32 $0x1;
	s15 =	simm.s32 $0x4000;
	s16 =	simm.s32 $0x2  }
0x4: {  	s17 =	simm.s32 $0x80;
	s18 =	simm.s32 $0x400;
	s19 =	simm.s32 $0x5000  }
0x5: {  	s20 =	simm.s32 $0x3;
	s4 =	sand.u32 $0x1, s1;
	s1 =	rddreg [dreg:$0x1]  }
0x6: {  	s21 =	simm.s32 $0x0;
	s5 =	sshll.u32 s0, $0x1;
	[smem:$0x7FF] =	sst s2  }
0x7: {  	s7 =	sshll.u32 s0, $0xB;
	s29 =	sshll.u32 s0, $0x6;
	s6 =	sor.u32 s4, s5  }
0x8: {  	_ =	strace $0x80000047;
	s4 =	ssub.s32 $0x2, s4;
	s30 =	sand.u32 $0x300, s29  }
0x9: {  	s5 =	sshll.u32 s6, $0xF;
	s31 =	sshrl.u32 s4, $0x1;
	s8 =	sshll.u32 s6, $0x4  }
0xa: {  	v0 =	vimm.f32 $0.0e+00;
	v1 =	vlaneseq.u32;
	v2 =	vimm.f32 $1.000000000e+00;
	s11 =	sadd.s32 s30, s3;
	s5 =	sor.u32 s7, s5;
	s13 =	sand.u32 $0x70, s8  }
0xb: {  	vm0 =	vmmov $0x1;
	vm1 =	vmmov $0x3;
	vm2 =	vmmov $0x7;
	s12 =	ssub.s32 s4, s31;
	s5 =	sand.u32 $0x3E000, s5;
	s11 =	sadd.s32 s13, s11  }
0xc: {  	vm3 =	vmmov $0xf;
	vm4 =	vmmov $0x1f;
	vm5 =	vmmov $0x3f;
	s12 =	smax.u32 s12, $0x1;
	s13 =	simm.s32 $0x2000;
	s10 =	sadd.s32 s5, s3  }
0xd: {  	vm6 =	vmmov $0x7f;
	vm7 =	vmmov $0xff;
	vm8 =	vmmov $0x1ff;
	s11 =	sadd.s32 $0x40A00, s11;
	s3 =	sadd.s32 $0xA00, s10;
	s4 =	sadd.s32 $0xE00, s10  }
0xe: {  	vm9 =	vmmov $0x3ff;
	vm10 =	vmmov $0x7ff;
	vm11 =	vmmov $0xfff;
	s5 =	sadd.s32 $0x1200, s10;
	s6 =	sadd.s32 $0x1600, s10;
	s7 =	sadd.s32 $0x1A00, s10  }
0xf: {  	vm12 =	vmmov $0x1fff;
	vm13 =	vmmov $0x3fff;
	vm14 =	vmmov $0x7fff;
	s8 =	sadd.s32 $0x1E00, s10;
	s9 =	sadd.s32 $0x2200, s10;
	s10 =	sadd.s32 $0x2600, s10  }
.LBB2_1:
0x10: {  	[tilespmem:s2], [sflag:$0x1] =	stream.linear.gather [hbm4b:s3+s2], $0x2000, $0x38;
	[tilespmem:$0x5100] =	vst v63  }
0x11: {  	s22 =	simm.s32 $0x4020  }
0x12: {  	[tilespmem:s22+$0xFFFFFFE0] =	vst v0  }
0x13: {  	[tilespmem:s22+$0x10] =	vst v0  }
0x14: {  	s23 =	simm.s32 $0x0;
	[tilespmem:s22+$0x0] =	vst v0  }
.LBB2_2:
0x15: {  	s23 =	sadd.s32 $0x4, s23  }
0x16: {  	[tilespmem:s22+$0xFFFFFFF0] =	vst v0;
	s22 =	sadd.s32 $0x40, s22;
	p0 =	slt.u32 s23, $0xFC  }
.Ltmp0:
0x17: {  	[tilespmem:s22+$0xFFFFFFE0] =	vst v0;
	(pc) =	sbr.rel @p0 .LBB2_2-.Ltmp0, $3  }
0x18: {  	_ =	sdelay $0x1  }
0x19: {  	[tilespmem:s22+$0x10] =	vst v0  }
0x1a: {  	[tilespmem:s22+$0x0] =	vst v0  }
0x1b: {  	[tilespmem:s22+$0xFFFFFFF0] =	vst v0  }
0x1c: {  	[tilespmem:s13], [sflag:$0x2] =	stream.linear.gather [hbm4b:s4+s2], $0x2000, $0x38;
	[tilespmem:$0x5100] =	vst v63  }
0x1d: {  	_ =	swait.ge [sflag:s14], $0x2000  }
0x1e: {  	[sflag:s14] =	ssyncset.done $0x0  }
0x1f: {  	s22 =	simm.s32 $0x80;
	[sflag:s14] =	ssyncadd.s32 $0xFFFFE000  }
0x20: {  	v3 =	vld [tilespmem:s22+$0xFFFFFFE0]  }
0x21: {  	v4 =	vld [tilespmem:s22+$0xFFFFFFF0]  }
0x22: {  	v5 =	vld [tilespmem:s22+$0x0]  }
0x23: {  	v6 =	vld [tilespmem:s22+$0x10]  }
0x24: {  	v8 =	vld [tilespmem:s22+$0x30]  }
0x25: {  	v10 =	vld [tilespmem:s22+$0x20]  }
0x26: {  	v7 =	vld [tilespmem:s22+$0xFFFFFFB0];
	_ =	sdelay $0x1  }
0x27: {  	v9 =	vld [tilespmem:s22+$0xFFFFFFC0];
	v3 =	vtrunc.f32 v3;
	v5 =	vtrunc.f32 v5  }
0x28: {  	v11 =	vld [tilespmem:s22+$0xFFFFFFA0];
	v6 =	vtrunc.f32 v6;
	v4 =	vtrunc.f32 v4  }
0x29: {  	v8 =	vtrunc.f32 v8;
	v10 =	vtrunc.f32 v10  }
0x2a: {  	v12 =	vld [tilespmem:s22+$0xFFFFFF90];
	v7 =	vtrunc.f32 v7;
	v6 =	vcvt.f32.s32 v6  }
0x2b: {  	v4 =	vcvt.f32.s32 v4;
	v13 =	vcvt.f32.s32 v3  }
0x2c: {  	v5 =	vcvt.f32.s32 v5;
	v3 =	vtrunc.f32 v9;
	v9 =	vld [tilespmem:s22+$0xFFFFFFD0]  }
0x2d: {  	v11 =	vtrunc.f32 v11;
	v10 =	vcvt.f32.s32 v10;
	v4 =	vshll.u32 v4, $0x4  }
0x2e: {  	v5 =	vshll.u32 v5, $0x4;
	v14 =	vor.u32 v1, v4;
	v4 =	vshll.u32 v6, $0x4  }
0x2f: {  	v15 =	vld [tilespmem:s22+$0xFFFFFF80];
	v6 =	vcvt.f32.s32 v8;
	v8 =	vtrunc.f32 v12;
	v12 =	vshll.u32 v13, $0x4  }
0x30: {  	v16 =	vld [tilespmem:s22+$0x50];
	v8 =	vcvt.f32.s32 v8;
	v13 =	vor.u32 v1, v4;
	v4 =	vshll.u32 v10, $0x4  }
0x31: {  	v17 =	vld [tilespmem:s22+$0x70];
	v12 =	vor.u32 v1, v12;
	v6 =	vshll.u32 v6, $0x4;
	v18 =	vtrunc.f32 v9  }
0x32: {  	v20 =	vld [tilespmem:s22+$0x40];
	v19 =	vor.u32 v1, v4;
	v9 =	vcvt.f32.s32 v11;
	v8 =	vshll.u32 v8, $0x4  }
0x33: {  	v10 =	vld [tilespmem:s22+$0x60];
	v11 =	vcvt.f32.s32 v7;
	v4 =	vor.u32 v1, v8;
	v8 =	vor.u32 v1, v6  }
0x34: {  	v7 =	vtrunc.f32 v15;
	v6 =	vshll.u32 v9, $0x4;
	v9 =	vor.u32 v1, v5;
	[tilespmem:v14+s15+$0x0] =	vst.idx.add.f32.msk $0xffff, v2  }
0x35: {  	v14 =	vcvt.f32.s32 v7;
	[tilespmem:v13+s15+$0x0] =	vst.idx.add.f32.msk $0xffff, v2  }
0x36: {  	v5 =	vshll.u32 v11, $0x4;
	v11 =	vtrunc.f32 v16;
	v7 =	vcvt.f32.s32 v18;
	[tilespmem:v12+s15+$0x0] =	vst.idx.add.f32.msk $0xffff, v2  }
0x37: {  	s23 =	simm.s32 $0x0;
	v13 =	vtrunc.f32 v20;
	v12 =	vshll.u32 v14, $0x4;
	[tilespmem:v19+s15+$0x0] =	vst.idx.add.f32.msk $0xffff, v2;
	v14 =	vtrunc.f32 v17  }
.LBB2_4:
0x38: {  	s23 =	sadd.s32 $0x10, s23;
	v12 =	vor.u32 v1, v12;
	[tilespmem:v8+s15+$0x0] =	vst.idx.add.f32.msk $0xffff, v2;
	v8 =	vcvt.f32.s32 v11;
	v11 =	vcvt.f32.s32 v14;
	s22 =	sadd.s32 $0x100, s22  }
0x39: {  	v7 =	vshll.u32 v7, $0x4;
	p0 =	slt.u32 s23, $0x1F0;
	[tilespmem:v9+s15+$0x0] =	vst.idx.add.f32.msk $0xffff, v2;
	v9 =	vcvt.f32.s32 v13;
	v10 =	vtrunc.f32 v10  }
0x3a: {  	v6 =	vor.u32 v1, v6;
	v13 =	vld [tilespmem:s22+$0xFFFFFFD0];
	v10 =	vcvt.f32.s32 v10;
	v11 =	vshll.u32 v11, $0x4  }
0x3b: {  	v8 =	vshll.u32 v8, $0x4;
	v14 =	vld [tilespmem:s22+$0xFFFFFF90];
	v9 =	vshll.u32 v9, $0x4;
	v11 =	vor.u32 v1, v11  }
0x3c: {  	v15 =	vld [tilespmem:s22+$0xFFFFFFA0];
	v10 =	vshll.u32 v10, $0x4  }
0x3d: {  	v16 =	vld [tilespmem:s22+$0xFFFFFFB0];
	v10 =	vor.u32 v1, v10  }
0x3e: {  	v17 =	vld [tilespmem:s22+$0xFFFFFFC0]  }
0x3f: {  	v3 =	vcvt.f32.s32 v3;
	v18 =	vld [tilespmem:s22+$0xFFFFFFE0]  }
0x40: {  	v19 =	vld [tilespmem:s22+$0xFFFFFFF0]  }
0x41: {  	v3 =	vshll.u32 v3, $0x4;
	[tilespmem:v4+s15+$0x0] =	vst.idx.add.f32.msk $0xffff, v2  }
0x42: {  	v20 =	vor.u32 v1, v3;
	v3 =	vor.u32 v1, v9;
	v4 =	vld [tilespmem:s22+$0x0]  }
0x43: {  	v9 =	vld [tilespmem:s22+$0x10]  }
0x44: {  	v5 =	vor.u32 v1, v5;
	v18 =	vtrunc.f32 v18;
	v21 =	vld [tilespmem:s22+$0x20]  }
0x45: {  	v22 =	vld [tilespmem:s22+$0x30]  }
0x46: {  	[tilespmem:v10+s15+$0x0] =	vst.idx.add.f32.msk $0xffff, v2  }
0x47: {  	v7 =	vor.u32 v1, v7;
	[tilespmem:v3+s15+$0x0] =	vst.idx.add.f32.msk $0xffff, v2  }
0x48: {  	v8 =	vor.u32 v1, v8;
	v3 =	vtrunc.f32 v4;
	v4 =	vtrunc.f32 v9;
	[tilespmem:v12+s15+$0x0] =	vst.idx.add.f32.msk $0xffff, v2  }
0x49: {  	v9 =	vtrunc.f32 v19;
	v4 =	vcvt.f32.s32 v4;
	[tilespmem:v5+s15+$0x0] =	vst.idx.add.f32.msk $0xffff, v2  }
0x4a: {  	v5 =	vcvt.f32.s32 v9;
	v9 =	vtrunc.f32 v22;
	[tilespmem:v11+s15+$0x0] =	vst.idx.add.f32.msk $0xffff, v2  }
0x4b: {  	v10 =	vcvt.f32.s32 v18;
	v11 =	vcvt.f32.s32 v3;
	v4 =	vshll.u32 v4, $0x4;
	[tilespmem:v6+s15+$0x0] =	vst.idx.add.f32.msk $0xffff, v2  }
0x4c: {  	v3 =	vtrunc.f32 v17;
	v6 =	vtrunc.f32 v21;
	[tilespmem:v20+s15+$0x0] =	vst.idx.add.f32.msk $0xffff, v2  }
0x4d: {  	v12 =	vtrunc.f32 v16;
	v5 =	vshll.u32 v5, $0x4;
	v6 =	vcvt.f32.s32 v6;
	[tilespmem:v8+s15+$0x0] =	vst.idx.add.f32.msk $0xffff, v2  }
0x4e: {  	v9 =	vcvt.f32.s32 v9;
	v5 =	vor.u32 v1, v5;
	v8 =	vtrunc.f32 v15;
	[tilespmem:v7+s15+$0x0] =	vst.idx.add.f32.msk $0xffff, v2  }
0x4f: {  	v14 =	vtrunc.f32 v14;
	v10 =	vshll.u32 v10, $0x4;
	v6 =	vshll.u32 v6, $0x4;
	v7 =	vld [tilespmem:s22+$0xFFFFFF80]  }
0x50: {  	v14 =	vcvt.f32.s32 v14;
	v15 =	vor.u32 v1, v4;
	v9 =	vshll.u32 v9, $0x4;
	v16 =	vld [tilespmem:s22+$0x50]  }
0x51: {  	v13 =	vtrunc.f32 v13;
	v17 =	vor.u32 v1, v10;
	v10 =	vshll.u32 v11, $0x4;
	v18 =	vld [tilespmem:s22+$0x70]  }
0x52: {  	v4 =	vshll.u32 v14, $0x4;
	v11 =	vcvt.f32.s32 v8;
	v14 =	vor.u32 v1, v6;
	v19 =	vld [tilespmem:s22+$0x40]  }
.Ltmp1:
0x53: {  	v12 =	vcvt.f32.s32 v12;
	v4 =	vor.u32 v1, v4;
	v8 =	vor.u32 v1, v9;
	[tilespmem:v5+s15+$0x0] =	vst.idx.add.f32.msk $0xffff, v2;
	(pc) =	sbr.rel @p0 .LBB2_4-.Ltmp1, $4  }
0x54: {  	v9 =	vor.u32 v1, v10;
	v6 =	vshll.u32 v11, $0x4;
	v5 =	vtrunc.f32 v7;
	v10 =	vld [tilespmem:s22+$0x60]  }
0x55: {  	v7 =	vcvt.f32.s32 v13;
	v20 =	vcvt.f32.s32 v5;
	[tilespmem:v15+s15+$0x0] =	vst.idx.add.f32.msk $0xffff, v2  }
0x56: {  	v5 =	vshll.u32 v12, $0x4;
	v11 =	vtrunc.f32 v16;
	[tilespmem:v17+s15+$0x0] =	vst.idx.add.f32.msk $0xffff, v2  }
0x57: {  	v12 =	vshll.u32 v20, $0x4;
	[tilespmem:v14+s15+$0x0] =	vst.idx.add.f32.msk $0xffff, v2;
	v13 =	vtrunc.f32 v19;
	v14 =	vtrunc.f32 v18  }
0x58: {  	_ =	sdelay $0x1  }
0x59: {  	v12 =	vor.u32 v1, v12  }
0x5a: {  	v13 =	vcvt.f32.s32 v13;
	v14 =	vcvt.f32.s32 v14;
	v5 =	vor.u32 v1, v5  }
0x5b: {  	v3 =	vcvt.f32.s32 v3;
	[tilespmem:v4+s15+$0x0] =	vst.idx.add.f32.msk $0xffff, v2;
	v4 =	vor.u32 v1, v6;
	v7 =	vshll.u32 v7, $0x4  }
0x5c: {  	[tilespmem:v9+s15+$0x0] =	vst.idx.add.f32.msk $0xffff, v2;
	v9 =	vcvt.f32.s32 v11;
	v7 =	vor.u32 v1, v7;
	v13 =	vshll.u32 v13, $0x4  }
0x5d: {  	[tilespmem:v8+s15+$0x0] =	vst.idx.add.f32.msk $0xffff, v2;
	v10 =	vtrunc.f32 v10;
	v8 =	vshll.u32 v14, $0x4;
	v13 =	vor.u32 v1, v13  }
0x5e: {  	v10 =	vcvt.f32.s32 v10;
	v3 =	vshll.u32 v3, $0x4;
	v8 =	vor.u32 v1, v8;
	[tilespmem:v12+s15+$0x0] =	vst.idx.add.f32.msk $0xffff, v2  }
0x5f: {  	v6 =	vshll.u32 v9, $0x4;
	v3 =	vor.u32 v1, v3;
	[tilespmem:v5+s15+$0x0] =	vst.idx.add.f32.msk $0xffff, v2  }
0x60: {  	v6 =	vor.u32 v1, v6;
	v10 =	vshll.u32 v10, $0x4;
	[tilespmem:v4+s15+$0x0] =	vst.idx.add.f32.msk $0xffff, v2  }
0x61: {  	v10 =	vor.u32 v1, v10;
	[tilespmem:v7+s15+$0x0] =	vst.idx.add.f32.msk $0xffff, v2  }
0x62: {  	[tilespmem:v13+s15+$0x0] =	vst.idx.add.f32.msk $0xffff, v2  }
0x63: {  	[tilespmem:v8+s15+$0x0] =	vst.idx.add.f32.msk $0xffff, v2  }
0x64: {  	[tilespmem:v3+s15+$0x0] =	vst.idx.add.f32.msk $0xffff, v2  }
0x65: {  	[tilespmem:v6+s15+$0x0] =	vst.idx.add.f32.msk $0xffff, v2  }
0x66: {  	[tilespmem:v10+s15+$0x0] =	vst.idx.add.f32.msk $0xffff, v2  }
0x67: {  	[tilespmem:s2], [sflag:$0x1] =	stream.linear.gather [hbm4b:s5+s2], $0x2000, $0x38;
	[tilespmem:$0x5100] =	vst v63  }
0x68: {  	_ =	swait.ge [sflag:s16], $0x2000  }
0x69: {  	[sflag:s16] =	ssyncset.done $0x0  }
0x6a: {  	s22 =	simm.s32 $0x2080;
	[sflag:s16] =	ssyncadd.s32 $0xFFFFE000  }
0x6b: {  	v3 =	vld [tilespmem:s22+$0xFFFFFFE0]  }
0x6c: {  	v4 =	vld [tilespmem:s22+$0xFFFFFFF0]  }
0x6d: {  	v5 =	vld [tilespmem:s22+$0x0]  }
0x6e: {  	v6 =	vld [tilespmem:s22+$0x10]  }
0x6f: {  	v8 =	vld [tilespmem:s22+$0x30]  }
0x70: {  	v10 =	vld [tilespmem:s22+$0x20]  }
0x71: {  	v7 =	vld [tilespmem:s22+$0xFFFFFFB0];
	_ =	sdelay $0x1  }
0x72: {  	v9 =	vld [tilespmem:s22+$0xFFFFFFC0];
	v3 =	vtrunc.f32 v3;
	v5 =	vtrunc.f32 v5  }
0x73: {  	v11 =	vld [tilespmem:s22+$0xFFFFFFA0];
	v6 =	vtrunc.f32 v6;
	v4 =	vtrunc.f32 v4  }
0x74: {  	v8 =	vtrunc.f32 v8;
	v10 =	vtrunc.f32 v10  }
0x75: {  	v12 =	vld [tilespmem:s22+$0xFFFFFF90];
	v7 =	vtrunc.f32 v7;
	v6 =	vcvt.f32.s32 v6  }
0x76: {  	v4 =	vcvt.f32.s32 v4;
	v13 =	vcvt.f32.s32 v3  }
0x77: {  	v5 =	vcvt.f32.s32 v5;
	v3 =	vtrunc.f32 v9;
	v9 =	vld [tilespmem:s22+$0xFFFFFFD0]  }
0x78: {  	v11 =	vtrunc.f32 v11;
	v10 =	vcvt.f32.s32 v10;
	v4 =	vshll.u32 v4, $0x4  }
0x79: {  	v5 =	vshll.u32 v5, $0x4;
	v14 =	vor.u32 v1, v4;
	v4 =	vshll.u32 v6, $0x4  }
0x7a: {  	v15 =	vld [tilespmem:s22+$0xFFFFFF80];
	v6 =	vcvt.f32.s32 v8;
	v8 =	vtrunc.f32 v12;
	v12 =	vshll.u32 v13, $0x4  }
0x7b: {  	v16 =	vld [tilespmem:s22+$0x50];
	v8 =	vcvt.f32.s32 v8;
	v13 =	vor.u32 v1, v4;
	v4 =	vshll.u32 v10, $0x4  }
0x7c: {  	v17 =	vld [tilespmem:s22+$0x70];
	v12 =	vor.u32 v1, v12;
	v6 =	vshll.u32 v6, $0x4;
	v18 =	vtrunc.f32 v9  }
0x7d: {  	v20 =	vld [tilespmem:s22+$0x40];
	v19 =	vor.u32 v1, v4;
	v9 =	vcvt.f32.s32 v11;
	v8 =	vshll.u32 v8, $0x4  }
0x7e: {  	v10 =	vld [tilespmem:s22+$0x60];
	v11 =	vcvt.f32.s32 v7;
	v4 =	vor.u32 v1, v8;
	v8 =	vor.u32 v1, v6  }
0x7f: {  	v7 =	vtrunc.f32 v15;
	v6 =	vshll.u32 v9, $0x4;
	v9 =	vor.u32 v1, v5;
	[tilespmem:v14+s15+$0x0] =	vst.idx.add.f32.msk $0xffff, v2  }
0x80: {  	v14 =	vcvt.f32.s32 v7;
	[tilespmem:v13+s15+$0x0] =	vst.idx.add.f32.msk $0xffff, v2  }
0x81: {  	v5 =	vshll.u32 v11, $0x4;
	v11 =	vtrunc.f32 v16;
	v7 =	vcvt.f32.s32 v18;
	[tilespmem:v12+s15+$0x0] =	vst.idx.add.f32.msk $0xffff, v2  }
0x82: {  	s23 =	simm.s32 $0x0;
	v13 =	vtrunc.f32 v20;
	v12 =	vshll.u32 v14, $0x4;
	[tilespmem:v19+s15+$0x0] =	vst.idx.add.f32.msk $0xffff, v2;
	v14 =	vtrunc.f32 v17  }
.LBB2_6:
0x83: {  	s23 =	sadd.s32 $0x10, s23;
	v12 =	vor.u32 v1, v12;
	[tilespmem:v8+s15+$0x0] =	vst.idx.add.f32.msk $0xffff, v2;
	v8 =	vcvt.f32.s32 v11;
	v11 =	vcvt.f32.s32 v14;
	s22 =	sadd.s32 $0x100, s22  }
0x84: {  	v7 =	vshll.u32 v7, $0x4;
	p0 =	slt.u32 s23, $0x1F0;
	[tilespmem:v9+s15+$0x0] =	vst.idx.add.f32.msk $0xffff, v2;
	v9 =	vcvt.f32.s32 v13;
	v10 =	vtrunc.f32 v10  }
0x85: {  	v6 =	vor.u32 v1, v6;
	v13 =	vld [tilespmem:s22+$0xFFFFFFD0];
	v10 =	vcvt.f32.s32 v10;
	v11 =	vshll.u32 v11, $0x4  }
0x86: {  	v8 =	vshll.u32 v8, $0x4;
	v14 =	vld [tilespmem:s22+$0xFFFFFF90];
	v9 =	vshll.u32 v9, $0x4;
	v11 =	vor.u32 v1, v11  }
0x87: {  	v15 =	vld [tilespmem:s22+$0xFFFFFFA0];
	v10 =	vshll.u32 v10, $0x4  }
0x88: {  	v16 =	vld [tilespmem:s22+$0xFFFFFFB0];
	v10 =	vor.u32 v1, v10  }
0x89: {  	v17 =	vld [tilespmem:s22+$0xFFFFFFC0]  }
0x8a: {  	v3 =	vcvt.f32.s32 v3;
	v18 =	vld [tilespmem:s22+$0xFFFFFFE0]  }
0x8b: {  	v19 =	vld [tilespmem:s22+$0xFFFFFFF0]  }
0x8c: {  	v3 =	vshll.u32 v3, $0x4;
	[tilespmem:v4+s15+$0x0] =	vst.idx.add.f32.msk $0xffff, v2  }
0x8d: {  	v20 =	vor.u32 v1, v3;
	v3 =	vor.u32 v1, v9;
	v4 =	vld [tilespmem:s22+$0x0]  }
0x8e: {  	v9 =	vld [tilespmem:s22+$0x10]  }
0x8f: {  	v5 =	vor.u32 v1, v5;
	v18 =	vtrunc.f32 v18;
	v21 =	vld [tilespmem:s22+$0x20]  }
0x90: {  	v22 =	vld [tilespmem:s22+$0x30]  }
0x91: {  	[tilespmem:v10+s15+$0x0] =	vst.idx.add.f32.msk $0xffff, v2  }
0x92: {  	v7 =	vor.u32 v1, v7;
	[tilespmem:v3+s15+$0x0] =	vst.idx.add.f32.msk $0xffff, v2  }
0x93: {  	v8 =	vor.u32 v1, v8;
	v3 =	vtrunc.f32 v4;
	v4 =	vtrunc.f32 v9;
	[tilespmem:v12+s15+$0x0] =	vst.idx.add.f32.msk $0xffff, v2  }
0x94: {  	v9 =	vtrunc.f32 v19;
	v4 =	vcvt.f32.s32 v4;
	[tilespmem:v5+s15+$0x0] =	vst.idx.add.f32.msk $0xffff, v2  }
0x95: {  	v5 =	vcvt.f32.s32 v9;
	v9 =	vtrunc.f32 v22;
	[tilespmem:v11+s15+$0x0] =	vst.idx.add.f32.msk $0xffff, v2  }
0x96: {  	v10 =	vcvt.f32.s32 v18;
	v11 =	vcvt.f32.s32 v3;
	v4 =	vshll.u32 v4, $0x4;
	[tilespmem:v6+s15+$0x0] =	vst.idx.add.f32.msk $0xffff, v2  }
0x97: {  	v3 =	vtrunc.f32 v17;
	v6 =	vtrunc.f32 v21;
	[tilespmem:v20+s15+$0x0] =	vst.idx.add.f32.msk $0xffff, v2  }
0x98: {  	v12 =	vtrunc.f32 v16;
	v5 =	vshll.u32 v5, $0x4;
	v6 =	vcvt.f32.s32 v6;
	[tilespmem:v8+s15+$0x0] =	vst.idx.add.f32.msk $0xffff, v2  }
0x99: {  	v9 =	vcvt.f32.s32 v9;
	v5 =	vor.u32 v1, v5;
	v8 =	vtrunc.f32 v15;
	[tilespmem:v7+s15+$0x0] =	vst.idx.add.f32.msk $0xffff, v2  }
0x9a: {  	v14 =	vtrunc.f32 v14;
	v10 =	vshll.u32 v10, $0x4;
	v6 =	vshll.u32 v6, $0x4;
	v7 =	vld [tilespmem:s22+$0xFFFFFF80]  }
0x9b: {  	v14 =	vcvt.f32.s32 v14;
	v15 =	vor.u32 v1, v4;
	v9 =	vshll.u32 v9, $0x4;
	v16 =	vld [tilespmem:s22+$0x50]  }
0x9c: {  	v13 =	vtrunc.f32 v13;
	v17 =	vor.u32 v1, v10;
	v10 =	vshll.u32 v11, $0x4;
	v18 =	vld [tilespmem:s22+$0x70]  }
0x9d: {  	v4 =	vshll.u32 v14, $0x4;
	v11 =	vcvt.f32.s32 v8;
	v14 =	vor.u32 v1, v6;
	v19 =	vld [tilespmem:s22+$0x40]  }
.Ltmp2:
0x9e: {  	v12 =	vcvt.f32.s32 v12;
	v4 =	vor.u32 v1, v4;
	v8 =	vor.u32 v1, v9;
	[tilespmem:v5+s15+$0x0] =	vst.idx.add.f32.msk $0xffff, v2;
	(pc) =	sbr.rel @p0 .LBB2_6-.Ltmp2, $4  }
0x9f: {  	v9 =	vor.u32 v1, v10;
	v6 =	vshll.u32 v11, $0x4;
	v5 =	vtrunc.f32 v7;
	v10 =	vld [tilespmem:s22+$0x60]  }
0xa0: {  	v7 =	vcvt.f32.s32 v13;
	v20 =	vcvt.f32.s32 v5;
	[tilespmem:v15+s15+$0x0] =	vst.idx.add.f32.msk $0xffff, v2  }
0xa1: {  	v5 =	vshll.u32 v12, $0x4;
	v11 =	vtrunc.f32 v16;
	[tilespmem:v17+s15+$0x0] =	vst.idx.add.f32.msk $0xffff, v2  }
0xa2: {  	v12 =	vshll.u32 v20, $0x4;
	[tilespmem:v14+s15+$0x0] =	vst.idx.add.f32.msk $0xffff, v2;
	v13 =	vtrunc.f32 v19;
	v14 =	vtrunc.f32 v18  }
0xa3: {  	_ =	sdelay $0x1  }
0xa4: {  	v12 =	vor.u32 v1, v12  }
0xa5: {  	v13 =	vcvt.f32.s32 v13;
	v14 =	vcvt.f32.s32 v14;
	v5 =	vor.u32 v1, v5  }
0xa6: {  	v3 =	vcvt.f32.s32 v3;
	[tilespmem:v4+s15+$0x0] =	vst.idx.add.f32.msk $0xffff, v2;
	v4 =	vor.u32 v1, v6;
	v7 =	vshll.u32 v7, $0x4  }
0xa7: {  	[tilespmem:v9+s15+$0x0] =	vst.idx.add.f32.msk $0xffff, v2;
	v9 =	vcvt.f32.s32 v11;
	v7 =	vor.u32 v1, v7;
	v13 =	vshll.u32 v13, $0x4  }
0xa8: {  	[tilespmem:v8+s15+$0x0] =	vst.idx.add.f32.msk $0xffff, v2;
	v10 =	vtrunc.f32 v10;
	v8 =	vshll.u32 v14, $0x4;
	v13 =	vor.u32 v1, v13  }
0xa9: {  	v10 =	vcvt.f32.s32 v10;
	v3 =	vshll.u32 v3, $0x4;
	v8 =	vor.u32 v1, v8;
	[tilespmem:v12+s15+$0x0] =	vst.idx.add.f32.msk $0xffff, v2  }
0xaa: {  	v6 =	vshll.u32 v9, $0x4;
	v3 =	vor.u32 v1, v3;
	[tilespmem:v5+s15+$0x0] =	vst.idx.add.f32.msk $0xffff, v2  }
0xab: {  	v6 =	vor.u32 v1, v6;
	v10 =	vshll.u32 v10, $0x4;
	[tilespmem:v4+s15+$0x0] =	vst.idx.add.f32.msk $0xffff, v2  }
0xac: {  	v10 =	vor.u32 v1, v10;
	[tilespmem:v7+s15+$0x0] =	vst.idx.add.f32.msk $0xffff, v2  }
0xad: {  	[tilespmem:v13+s15+$0x0] =	vst.idx.add.f32.msk $0xffff, v2  }
0xae: {  	[tilespmem:v8+s15+$0x0] =	vst.idx.add.f32.msk $0xffff, v2  }
0xaf: {  	[tilespmem:v3+s15+$0x0] =	vst.idx.add.f32.msk $0xffff, v2  }
0xb0: {  	[tilespmem:v6+s15+$0x0] =	vst.idx.add.f32.msk $0xffff, v2  }
0xb1: {  	[tilespmem:v10+s15+$0x0] =	vst.idx.add.f32.msk $0xffff, v2  }
0xb2: {  	[tilespmem:s13], [sflag:$0x2] =	stream.linear.gather [hbm4b:s6+s2], $0x2000, $0x38;
	[tilespmem:$0x5100] =	vst v63  }
0xb3: {  	_ =	swait.ge [sflag:s14], $0x2000  }
0xb4: {  	[sflag:s14] =	ssyncset.done $0x0  }
0xb5: {  	s22 =	simm.s32 $0x80;
	[sflag:s14] =	ssyncadd.s32 $0xFFFFE000  }
0xb6: {  	v3 =	vld [tilespmem:s22+$0xFFFFFFE0]  }
0xb7: {  	v4 =	vld [tilespmem:s22+$0xFFFFFFF0]  }
0xb8: {  	v5 =	vld [tilespmem:s22+$0x0]  }
0xb9: {  	v6 =	vld [tilespmem:s22+$0x10]  }
0xba: {  	v8 =	vld [tilespmem:s22+$0x30]  }
0xbb: {  	v10 =	vld [tilespmem:s22+$0x20]  }
0xbc: {  	v7 =	vld [tilespmem:s22+$0xFFFFFFB0];
	_ =	sdelay $0x1  }
0xbd: {  	v9 =	vld [tilespmem:s22+$0xFFFFFFC0];
	v3 =	vtrunc.f32 v3;
	v5 =	vtrunc.f32 v5  }
0xbe: {  	v11 =	vld [tilespmem:s22+$0xFFFFFFA0];
	v6 =	vtrunc.f32 v6;
	v4 =	vtrunc.f32 v4  }
0xbf: {  	v8 =	vtrunc.f32 v8;
	v10 =	vtrunc.f32 v10  }
0xc0: {  	v12 =	vld [tilespmem:s22+$0xFFFFFF90];
	v7 =	vtrunc.f32 v7;
	v6 =	vcvt.f32.s32 v6  }
0xc1: {  	v4 =	vcvt.f32.s32 v4;
	v13 =	vcvt.f32.s32 v3  }
0xc2: {  	v5 =	vcvt.f32.s32 v5;
	v3 =	vtrunc.f32 v9;
	v9 =	vld [tilespmem:s22+$0xFFFFFFD0]  }
0xc3: {  	v11 =	vtrunc.f32 v11;
	v10 =	vcvt.f32.s32 v10;
	v4 =	vshll.u32 v4, $0x4  }
0xc4: {  	v5 =	vshll.u32 v5, $0x4;
	v14 =	vor.u32 v1, v4;
	v4 =	vshll.u32 v6, $0x4  }
0xc5: {  	v15 =	vld [tilespmem:s22+$0xFFFFFF80];
	v6 =	vcvt.f32.s32 v8;
	v8 =	vtrunc.f32 v12;
	v12 =	vshll.u32 v13, $0x4  }
0xc6: {  	v16 =	vld [tilespmem:s22+$0x50];
	v8 =	vcvt.f32.s32 v8;
	v13 =	vor.u32 v1, v4;
	v4 =	vshll.u32 v10, $0x4  }
0xc7: {  	v17 =	vld [tilespmem:s22+$0x70];
	v12 =	vor.u32 v1, v12;
	v6 =	vshll.u32 v6, $0x4;
	v18 =	vtrunc.f32 v9  }
0xc8: {  	v20 =	vld [tilespmem:s22+$0x40];
	v19 =	vor.u32 v1, v4;
	v9 =	vcvt.f32.s32 v11;
	v8 =	vshll.u32 v8, $0x4  }
0xc9: {  	v10 =	vld [tilespmem:s22+$0x60];
	v11 =	vcvt.f32.s32 v7;
	v4 =	vor.u32 v1, v8;
	v8 =	vor.u32 v1, v6  }
0xca: {  	v7 =	vtrunc.f32 v15;
	v6 =	vshll.u32 v9, $0x4;
	v9 =	vor.u32 v1, v5;
	[tilespmem:v14+s15+$0x0] =	vst.idx.add.f32.msk $0xffff, v2  }
0xcb: {  	v14 =	vcvt.f32.s32 v7;
	[tilespmem:v13+s15+$0x0] =	vst.idx.add.f32.msk $0xffff, v2  }
0xcc: {  	v5 =	vshll.u32 v11, $0x4;
	v11 =	vtrunc.f32 v16;
	v7 =	vcvt.f32.s32 v18;
	[tilespmem:v12+s15+$0x0] =	vst.idx.add.f32.msk $0xffff, v2  }
0xcd: {  	s23 =	simm.s32 $0x0;
	v13 =	vtrunc.f32 v20;
	v12 =	vshll.u32 v14, $0x4;
	[tilespmem:v19+s15+$0x0] =	vst.idx.add.f32.msk $0xffff, v2;
	v14 =	vtrunc.f32 v17  }
.LBB2_8:
0xce: {  	s23 =	sadd.s32 $0x10, s23;
	v12 =	vor.u32 v1, v12;
	[tilespmem:v8+s15+$0x0] =	vst.idx.add.f32.msk $0xffff, v2;
	v8 =	vcvt.f32.s32 v11;
	v11 =	vcvt.f32.s32 v14;
	s22 =	sadd.s32 $0x100, s22  }
0xcf: {  	v7 =	vshll.u32 v7, $0x4;
	p0 =	slt.u32 s23, $0x1F0;
	[tilespmem:v9+s15+$0x0] =	vst.idx.add.f32.msk $0xffff, v2;
	v9 =	vcvt.f32.s32 v13;
	v10 =	vtrunc.f32 v10  }
0xd0: {  	v6 =	vor.u32 v1, v6;
	v13 =	vld [tilespmem:s22+$0xFFFFFFD0];
	v10 =	vcvt.f32.s32 v10;
	v11 =	vshll.u32 v11, $0x4  }
0xd1: {  	v8 =	vshll.u32 v8, $0x4;
	v14 =	vld [tilespmem:s22+$0xFFFFFF90];
	v9 =	vshll.u32 v9, $0x4;
	v11 =	vor.u32 v1, v11  }
0xd2: {  	v15 =	vld [tilespmem:s22+$0xFFFFFFA0];
	v10 =	vshll.u32 v10, $0x4  }
0xd3: {  	v16 =	vld [tilespmem:s22+$0xFFFFFFB0];
	v10 =	vor.u32 v1, v10  }
0xd4: {  	v17 =	vld [tilespmem:s22+$0xFFFFFFC0]  }
0xd5: {  	v3 =	vcvt.f32.s32 v3;
	v18 =	vld [tilespmem:s22+$0xFFFFFFE0]  }
0xd6: {  	v19 =	vld [tilespmem:s22+$0xFFFFFFF0]  }
0xd7: {  	v3 =	vshll.u32 v3, $0x4;
	[tilespmem:v4+s15+$0x0] =	vst.idx.add.f32.msk $0xffff, v2  }
0xd8: {  	v20 =	vor.u32 v1, v3;
	v3 =	vor.u32 v1, v9;
	v4 =	vld [tilespmem:s22+$0x0]  }
0xd9: {  	v9 =	vld [tilespmem:s22+$0x10]  }
0xda: {  	v5 =	vor.u32 v1, v5;
	v18 =	vtrunc.f32 v18;
	v21 =	vld [tilespmem:s22+$0x20]  }
0xdb: {  	v22 =	vld [tilespmem:s22+$0x30]  }
0xdc: {  	[tilespmem:v10+s15+$0x0] =	vst.idx.add.f32.msk $0xffff, v2  }
0xdd: {  	v7 =	vor.u32 v1, v7;
	[tilespmem:v3+s15+$0x0] =	vst.idx.add.f32.msk $0xffff, v2  }
0xde: {  	v8 =	vor.u32 v1, v8;
	v3 =	vtrunc.f32 v4;
	v4 =	vtrunc.f32 v9;
	[tilespmem:v12+s15+$0x0] =	vst.idx.add.f32.msk $0xffff, v2  }
0xdf: {  	v9 =	vtrunc.f32 v19;
	v4 =	vcvt.f32.s32 v4;
	[tilespmem:v5+s15+$0x0] =	vst.idx.add.f32.msk $0xffff, v2  }
0xe0: {  	v5 =	vcvt.f32.s32 v9;
	v9 =	vtrunc.f32 v22;
	[tilespmem:v11+s15+$0x0] =	vst.idx.add.f32.msk $0xffff, v2  }
0xe1: {  	v10 =	vcvt.f32.s32 v18;
	v11 =	vcvt.f32.s32 v3;
	v4 =	vshll.u32 v4, $0x4;
	[tilespmem:v6+s15+$0x0] =	vst.idx.add.f32.msk $0xffff, v2  }
0xe2: {  	v3 =	vtrunc.f32 v17;
	v6 =	vtrunc.f32 v21;
	[tilespmem:v20+s15+$0x0] =	vst.idx.add.f32.msk $0xffff, v2  }
0xe3: {  	v12 =	vtrunc.f32 v16;
	v5 =	vshll.u32 v5, $0x4;
	v6 =	vcvt.f32.s32 v6;
	[tilespmem:v8+s15+$0x0] =	vst.idx.add.f32.msk $0xffff, v2  }
0xe4: {  	v9 =	vcvt.f32.s32 v9;
	v5 =	vor.u32 v1, v5;
	v8 =	vtrunc.f32 v15;
	[tilespmem:v7+s15+$0x0] =	vst.idx.add.f32.msk $0xffff, v2  }
0xe5: {  	v14 =	vtrunc.f32 v14;
	v10 =	vshll.u32 v10, $0x4;
	v6 =	vshll.u32 v6, $0x4;
	v7 =	vld [tilespmem:s22+$0xFFFFFF80]  }
0xe6: {  	v14 =	vcvt.f32.s32 v14;
	v15 =	vor.u32 v1, v4;
	v9 =	vshll.u32 v9, $0x4;
	v16 =	vld [tilespmem:s22+$0x50]  }
0xe7: {  	v13 =	vtrunc.f32 v13;
	v17 =	vor.u32 v1, v10;
	v10 =	vshll.u32 v11, $0x4;
	v18 =	vld [tilespmem:s22+$0x70]  }
0xe8: {  	v4 =	vshll.u32 v14, $0x4;
	v11 =	vcvt.f32.s32 v8;
	v14 =	vor.u32 v1, v6;
	v19 =	vld [tilespmem:s22+$0x40]  }
.Ltmp3:
0xe9: {  	v12 =	vcvt.f32.s32 v12;
	v4 =	vor.u32 v1, v4;
	v8 =	vor.u32 v1, v9;
	[tilespmem:v5+s15+$0x0] =	vst.idx.add.f32.msk $0xffff, v2;
	(pc) =	sbr.rel @p0 .LBB2_8-.Ltmp3, $4  }
0xea: {  	v9 =	vor.u32 v1, v10;
	v6 =	vshll.u32 v11, $0x4;
	v5 =	vtrunc.f32 v7;
	v10 =	vld [tilespmem:s22+$0x60]  }
0xeb: {  	v7 =	vcvt.f32.s32 v13;
	v20 =	vcvt.f32.s32 v5;
	[tilespmem:v15+s15+$0x0] =	vst.idx.add.f32.msk $0xffff, v2  }
0xec: {  	v5 =	vshll.u32 v12, $0x4;
	v11 =	vtrunc.f32 v16;
	[tilespmem:v17+s15+$0x0] =	vst.idx.add.f32.msk $0xffff, v2  }
0xed: {  	v12 =	vshll.u32 v20, $0x4;
	[tilespmem:v14+s15+$0x0] =	vst.idx.add.f32.msk $0xffff, v2;
	v13 =	vtrunc.f32 v19;
	v14 =	vtrunc.f32 v18  }
0xee: {  	_ =	sdelay $0x1  }
0xef: {  	v12 =	vor.u32 v1, v12  }
0xf0: {  	v13 =	vcvt.f32.s32 v13;
	v14 =	vcvt.f32.s32 v14;
	v5 =	vor.u32 v1, v5  }
0xf1: {  	v3 =	vcvt.f32.s32 v3;
	[tilespmem:v4+s15+$0x0] =	vst.idx.add.f32.msk $0xffff, v2;
	v4 =	vor.u32 v1, v6;
	v7 =	vshll.u32 v7, $0x4  }
0xf2: {  	[tilespmem:v9+s15+$0x0] =	vst.idx.add.f32.msk $0xffff, v2;
	v9 =	vcvt.f32.s32 v11;
	v7 =	vor.u32 v1, v7;
	v13 =	vshll.u32 v13, $0x4  }
0xf3: {  	[tilespmem:v8+s15+$0x0] =	vst.idx.add.f32.msk $0xffff, v2;
	v10 =	vtrunc.f32 v10;
	v8 =	vshll.u32 v14, $0x4;
	v13 =	vor.u32 v1, v13  }
0xf4: {  	v10 =	vcvt.f32.s32 v10;
	v3 =	vshll.u32 v3, $0x4;
	v8 =	vor.u32 v1, v8;
	[tilespmem:v12+s15+$0x0] =	vst.idx.add.f32.msk $0xffff, v2  }
0xf5: {  	v6 =	vshll.u32 v9, $0x4;
	v3 =	vor.u32 v1, v3;
	[tilespmem:v5+s15+$0x0] =	vst.idx.add.f32.msk $0xffff, v2  }
0xf6: {  	v6 =	vor.u32 v1, v6;
	v10 =	vshll.u32 v10, $0x4;
	[tilespmem:v4+s15+$0x0] =	vst.idx.add.f32.msk $0xffff, v2  }
0xf7: {  	v10 =	vor.u32 v1, v10;
	[tilespmem:v7+s15+$0x0] =	vst.idx.add.f32.msk $0xffff, v2  }
0xf8: {  	[tilespmem:v13+s15+$0x0] =	vst.idx.add.f32.msk $0xffff, v2  }
0xf9: {  	[tilespmem:v8+s15+$0x0] =	vst.idx.add.f32.msk $0xffff, v2  }
0xfa: {  	[tilespmem:v3+s15+$0x0] =	vst.idx.add.f32.msk $0xffff, v2  }
0xfb: {  	[tilespmem:v6+s15+$0x0] =	vst.idx.add.f32.msk $0xffff, v2  }
0xfc: {  	[tilespmem:v10+s15+$0x0] =	vst.idx.add.f32.msk $0xffff, v2  }
0xfd: {  	[tilespmem:s2], [sflag:$0x1] =	stream.linear.gather [hbm4b:s7+s2], $0x2000, $0x38;
	[tilespmem:$0x5100] =	vst v63  }
0xfe: {  	_ =	swait.ge [sflag:s16], $0x2000  }
0xff: {  	[sflag:s16] =	ssyncset.done $0x0  }
0x100: {  	s22 =	simm.s32 $0x2080;
	[sflag:s16] =	ssyncadd.s32 $0xFFFFE000  }
0x101: {  	v3 =	vld [tilespmem:s22+$0xFFFFFFE0]  }
0x102: {  	v4 =	vld [tilespmem:s22+$0xFFFFFFF0]  }
0x103: {  	v5 =	vld [tilespmem:s22+$0x0]  }
0x104: {  	v6 =	vld [tilespmem:s22+$0x10]  }
0x105: {  	v8 =	vld [tilespmem:s22+$0x30]  }
0x106: {  	v10 =	vld [tilespmem:s22+$0x20]  }
0x107: {  	v7 =	vld [tilespmem:s22+$0xFFFFFFB0];
	_ =	sdelay $0x1  }
0x108: {  	v9 =	vld [tilespmem:s22+$0xFFFFFFC0];
	v3 =	vtrunc.f32 v3;
	v5 =	vtrunc.f32 v5  }
0x109: {  	v11 =	vld [tilespmem:s22+$0xFFFFFFA0];
	v6 =	vtrunc.f32 v6;
	v4 =	vtrunc.f32 v4  }
0x10a: {  	v8 =	vtrunc.f32 v8;
	v10 =	vtrunc.f32 v10  }
0x10b: {  	v12 =	vld [tilespmem:s22+$0xFFFFFF90];
	v7 =	vtrunc.f32 v7;
	v6 =	vcvt.f32.s32 v6  }
0x10c: {  	v4 =	vcvt.f32.s32 v4;
	v13 =	vcvt.f32.s32 v3  }
0x10d: {  	v5 =	vcvt.f32.s32 v5;
	v3 =	vtrunc.f32 v9;
	v9 =	vld [tilespmem:s22+$0xFFFFFFD0]  }
0x10e: {  	v11 =	vtrunc.f32 v11;
	v10 =	vcvt.f32.s32 v10;
	v4 =	vshll.u32 v4, $0x4  }
0x10f: {  	v5 =	vshll.u32 v5, $0x4;
	v14 =	vor.u32 v1, v4;
	v4 =	vshll.u32 v6, $0x4  }
0x110: {  	v15 =	vld [tilespmem:s22+$0xFFFFFF80];
	v6 =	vcvt.f32.s32 v8;
	v8 =	vtrunc.f32 v12;
	v12 =	vshll.u32 v13, $0x4  }
0x111: {  	v16 =	vld [tilespmem:s22+$0x50];
	v8 =	vcvt.f32.s32 v8;
	v13 =	vor.u32 v1, v4;
	v4 =	vshll.u32 v10, $0x4  }
0x112: {  	v17 =	vld [tilespmem:s22+$0x70];
	v12 =	vor.u32 v1, v12;
	v6 =	vshll.u32 v6, $0x4;
	v18 =	vtrunc.f32 v9  }
0x113: {  	v20 =	vld [tilespmem:s22+$0x40];
	v19 =	vor.u32 v1, v4;
	v9 =	vcvt.f32.s32 v11;
	v8 =	vshll.u32 v8, $0x4  }
0x114: {  	v10 =	vld [tilespmem:s22+$0x60];
	v11 =	vcvt.f32.s32 v7;
	v4 =	vor.u32 v1, v8;
	v8 =	vor.u32 v1, v6  }
0x115: {  	v7 =	vtrunc.f32 v15;
	v6 =	vshll.u32 v9, $0x4;
	v9 =	vor.u32 v1, v5;
	[tilespmem:v14+s15+$0x0] =	vst.idx.add.f32.msk $0xffff, v2  }
0x116: {  	v14 =	vcvt.f32.s32 v7;
	[tilespmem:v13+s15+$0x0] =	vst.idx.add.f32.msk $0xffff, v2  }
0x117: {  	v5 =	vshll.u32 v11, $0x4;
	v11 =	vtrunc.f32 v16;
	v7 =	vcvt.f32.s32 v18;
	[tilespmem:v12+s15+$0x0] =	vst.idx.add.f32.msk $0xffff, v2  }
0x118: {  	s23 =	simm.s32 $0x0;
	v13 =	vtrunc.f32 v20;
	v12 =	vshll.u32 v14, $0x4;
	[tilespmem:v19+s15+$0x0] =	vst.idx.add.f32.msk $0xffff, v2;
	v14 =	vtrunc.f32 v17  }
.LBB2_10:
0x119: {  	s23 =	sadd.s32 $0x10, s23;
	v12 =	vor.u32 v1, v12;
	[tilespmem:v8+s15+$0x0] =	vst.idx.add.f32.msk $0xffff, v2;
	v8 =	vcvt.f32.s32 v11;
	v11 =	vcvt.f32.s32 v14;
	s22 =	sadd.s32 $0x100, s22  }
0x11a: {  	v7 =	vshll.u32 v7, $0x4;
	p0 =	slt.u32 s23, $0x1F0;
	[tilespmem:v9+s15+$0x0] =	vst.idx.add.f32.msk $0xffff, v2;
	v9 =	vcvt.f32.s32 v13;
	v10 =	vtrunc.f32 v10  }
0x11b: {  	v6 =	vor.u32 v1, v6;
	v13 =	vld [tilespmem:s22+$0xFFFFFFD0];
	v10 =	vcvt.f32.s32 v10;
	v11 =	vshll.u32 v11, $0x4  }
0x11c: {  	v8 =	vshll.u32 v8, $0x4;
	v14 =	vld [tilespmem:s22+$0xFFFFFF90];
	v9 =	vshll.u32 v9, $0x4;
	v11 =	vor.u32 v1, v11  }
0x11d: {  	v15 =	vld [tilespmem:s22+$0xFFFFFFA0];
	v10 =	vshll.u32 v10, $0x4  }
0x11e: {  	v16 =	vld [tilespmem:s22+$0xFFFFFFB0];
	v10 =	vor.u32 v1, v10  }
0x11f: {  	v17 =	vld [tilespmem:s22+$0xFFFFFFC0]  }
0x120: {  	v3 =	vcvt.f32.s32 v3;
	v18 =	vld [tilespmem:s22+$0xFFFFFFE0]  }
0x121: {  	v19 =	vld [tilespmem:s22+$0xFFFFFFF0]  }
0x122: {  	v3 =	vshll.u32 v3, $0x4;
	[tilespmem:v4+s15+$0x0] =	vst.idx.add.f32.msk $0xffff, v2  }
0x123: {  	v20 =	vor.u32 v1, v3;
	v3 =	vor.u32 v1, v9;
	v4 =	vld [tilespmem:s22+$0x0]  }
0x124: {  	v9 =	vld [tilespmem:s22+$0x10]  }
0x125: {  	v5 =	vor.u32 v1, v5;
	v18 =	vtrunc.f32 v18;
	v21 =	vld [tilespmem:s22+$0x20]  }
0x126: {  	v22 =	vld [tilespmem:s22+$0x30]  }
0x127: {  	[tilespmem:v10+s15+$0x0] =	vst.idx.add.f32.msk $0xffff, v2  }
0x128: {  	v7 =	vor.u32 v1, v7;
	[tilespmem:v3+s15+$0x0] =	vst.idx.add.f32.msk $0xffff, v2  }
0x129: {  	v8 =	vor.u32 v1, v8;
	v3 =	vtrunc.f32 v4;
	v4 =	vtrunc.f32 v9;
	[tilespmem:v12+s15+$0x0] =	vst.idx.add.f32.msk $0xffff, v2  }
0x12a: {  	v9 =	vtrunc.f32 v19;
	v4 =	vcvt.f32.s32 v4;
	[tilespmem:v5+s15+$0x0] =	vst.idx.add.f32.msk $0xffff, v2  }
0x12b: {  	v5 =	vcvt.f32.s32 v9;
	v9 =	vtrunc.f32 v22;
	[tilespmem:v11+s15+$0x0] =	vst.idx.add.f32.msk $0xffff, v2  }
0x12c: {  	v10 =	vcvt.f32.s32 v18;
	v11 =	vcvt.f32.s32 v3;
	v4 =	vshll.u32 v4, $0x4;
	[tilespmem:v6+s15+$0x0] =	vst.idx.add.f32.msk $0xffff, v2  }
0x12d: {  	v3 =	vtrunc.f32 v17;
	v6 =	vtrunc.f32 v21;
	[tilespmem:v20+s15+$0x0] =	vst.idx.add.f32.msk $0xffff, v2  }
0x12e: {  	v12 =	vtrunc.f32 v16;
	v5 =	vshll.u32 v5, $0x4;
	v6 =	vcvt.f32.s32 v6;
	[tilespmem:v8+s15+$0x0] =	vst.idx.add.f32.msk $0xffff, v2  }
0x12f: {  	v9 =	vcvt.f32.s32 v9;
	v5 =	vor.u32 v1, v5;
	v8 =	vtrunc.f32 v15;
	[tilespmem:v7+s15+$0x0] =	vst.idx.add.f32.msk $0xffff, v2  }
0x130: {  	v14 =	vtrunc.f32 v14;
	v10 =	vshll.u32 v10, $0x4;
	v6 =	vshll.u32 v6, $0x4;
	v7 =	vld [tilespmem:s22+$0xFFFFFF80]  }
0x131: {  	v14 =	vcvt.f32.s32 v14;
	v15 =	vor.u32 v1, v4;
	v9 =	vshll.u32 v9, $0x4;
	v16 =	vld [tilespmem:s22+$0x50]  }
0x132: {  	v13 =	vtrunc.f32 v13;
	v17 =	vor.u32 v1, v10;
	v10 =	vshll.u32 v11, $0x4;
	v18 =	vld [tilespmem:s22+$0x70]  }
0x133: {  	v4 =	vshll.u32 v14, $0x4;
	v11 =	vcvt.f32.s32 v8;
	v14 =	vor.u32 v1, v6;
	v19 =	vld [tilespmem:s22+$0x40]  }
.Ltmp4:
0x134: {  	v12 =	vcvt.f32.s32 v12;
	v4 =	vor.u32 v1, v4;
	v8 =	vor.u32 v1, v9;
	[tilespmem:v5+s15+$0x0] =	vst.idx.add.f32.msk $0xffff, v2;
	(pc) =	sbr.rel @p0 .LBB2_10-.Ltmp4, $4  }
0x135: {  	v9 =	vor.u32 v1, v10;
	v6 =	vshll.u32 v11, $0x4;
	v5 =	vtrunc.f32 v7;
	v10 =	vld [tilespmem:s22+$0x60]  }
0x136: {  	v7 =	vcvt.f32.s32 v13;
	v20 =	vcvt.f32.s32 v5;
	[tilespmem:v15+s15+$0x0] =	vst.idx.add.f32.msk $0xffff, v2  }
0x137: {  	v5 =	vshll.u32 v12, $0x4;
	v11 =	vtrunc.f32 v16;
	[tilespmem:v17+s15+$0x0] =	vst.idx.add.f32.msk $0xffff, v2  }
0x138: {  	v12 =	vshll.u32 v20, $0x4;
	[tilespmem:v14+s15+$0x0] =	vst.idx.add.f32.msk $0xffff, v2;
	v13 =	vtrunc.f32 v19;
	v14 =	vtrunc.f32 v18  }
0x139: {  	_ =	sdelay $0x1  }
0x13a: {  	v12 =	vor.u32 v1, v12  }
0x13b: {  	v13 =	vcvt.f32.s32 v13;
	v14 =	vcvt.f32.s32 v14;
	v5 =	vor.u32 v1, v5  }
0x13c: {  	v3 =	vcvt.f32.s32 v3;
	[tilespmem:v4+s15+$0x0] =	vst.idx.add.f32.msk $0xffff, v2;
	v4 =	vor.u32 v1, v6;
	v7 =	vshll.u32 v7, $0x4  }
0x13d: {  	[tilespmem:v9+s15+$0x0] =	vst.idx.add.f32.msk $0xffff, v2;
	v9 =	vcvt.f32.s32 v11;
	v7 =	vor.u32 v1, v7;
	v13 =	vshll.u32 v13, $0x4  }
0x13e: {  	[tilespmem:v8+s15+$0x0] =	vst.idx.add.f32.msk $0xffff, v2;
	v10 =	vtrunc.f32 v10;
	v8 =	vshll.u32 v14, $0x4;
	v13 =	vor.u32 v1, v13  }
0x13f: {  	v10 =	vcvt.f32.s32 v10;
	v3 =	vshll.u32 v3, $0x4;
	v8 =	vor.u32 v1, v8;
	[tilespmem:v12+s15+$0x0] =	vst.idx.add.f32.msk $0xffff, v2  }
0x140: {  	v6 =	vshll.u32 v9, $0x4;
	v3 =	vor.u32 v1, v3;
	[tilespmem:v5+s15+$0x0] =	vst.idx.add.f32.msk $0xffff, v2  }
0x141: {  	v6 =	vor.u32 v1, v6;
	v10 =	vshll.u32 v10, $0x4;
	[tilespmem:v4+s15+$0x0] =	vst.idx.add.f32.msk $0xffff, v2  }
0x142: {  	v10 =	vor.u32 v1, v10;
	[tilespmem:v7+s15+$0x0] =	vst.idx.add.f32.msk $0xffff, v2  }
0x143: {  	[tilespmem:v13+s15+$0x0] =	vst.idx.add.f32.msk $0xffff, v2  }
0x144: {  	[tilespmem:v8+s15+$0x0] =	vst.idx.add.f32.msk $0xffff, v2  }
0x145: {  	[tilespmem:v3+s15+$0x0] =	vst.idx.add.f32.msk $0xffff, v2  }
0x146: {  	[tilespmem:v6+s15+$0x0] =	vst.idx.add.f32.msk $0xffff, v2  }
0x147: {  	[tilespmem:v10+s15+$0x0] =	vst.idx.add.f32.msk $0xffff, v2  }
0x148: {  	[tilespmem:s13], [sflag:$0x2] =	stream.linear.gather [hbm4b:s8+s2], $0x2000, $0x38;
	[tilespmem:$0x5100] =	vst v63  }
0x149: {  	_ =	swait.ge [sflag:s14], $0x2000  }
0x14a: {  	[sflag:s14] =	ssyncset.done $0x0  }
0x14b: {  	s22 =	simm.s32 $0x80;
	[sflag:s14] =	ssyncadd.s32 $0xFFFFE000  }
0x14c: {  	v3 =	vld [tilespmem:s22+$0xFFFFFFE0]  }
0x14d: {  	v4 =	vld [tilespmem:s22+$0xFFFFFFF0]  }
0x14e: {  	v5 =	vld [tilespmem:s22+$0x0]  }
0x14f: {  	v6 =	vld [tilespmem:s22+$0x10]  }
0x150: {  	v8 =	vld [tilespmem:s22+$0x30]  }
0x151: {  	v10 =	vld [tilespmem:s22+$0x20]  }
0x152: {  	v7 =	vld [tilespmem:s22+$0xFFFFFFB0];
	_ =	sdelay $0x1  }
0x153: {  	v9 =	vld [tilespmem:s22+$0xFFFFFFC0];
	v3 =	vtrunc.f32 v3;
	v5 =	vtrunc.f32 v5  }
0x154: {  	v11 =	vld [tilespmem:s22+$0xFFFFFFA0];
	v6 =	vtrunc.f32 v6;
	v4 =	vtrunc.f32 v4  }
0x155: {  	v8 =	vtrunc.f32 v8;
	v10 =	vtrunc.f32 v10  }
0x156: {  	v12 =	vld [tilespmem:s22+$0xFFFFFF90];
	v7 =	vtrunc.f32 v7;
	v6 =	vcvt.f32.s32 v6  }
0x157: {  	v4 =	vcvt.f32.s32 v4;
	v13 =	vcvt.f32.s32 v3  }
0x158: {  	v5 =	vcvt.f32.s32 v5;
	v3 =	vtrunc.f32 v9;
	v9 =	vld [tilespmem:s22+$0xFFFFFFD0]  }
0x159: {  	v11 =	vtrunc.f32 v11;
	v10 =	vcvt.f32.s32 v10;
	v4 =	vshll.u32 v4, $0x4  }
0x15a: {  	v5 =	vshll.u32 v5, $0x4;
	v14 =	vor.u32 v1, v4;
	v4 =	vshll.u32 v6, $0x4  }
0x15b: {  	v15 =	vld [tilespmem:s22+$0xFFFFFF80];
	v6 =	vcvt.f32.s32 v8;
	v8 =	vtrunc.f32 v12;
	v12 =	vshll.u32 v13, $0x4  }
0x15c: {  	v16 =	vld [tilespmem:s22+$0x50];
	v8 =	vcvt.f32.s32 v8;
	v13 =	vor.u32 v1, v4;
	v4 =	vshll.u32 v10, $0x4  }
0x15d: {  	v17 =	vld [tilespmem:s22+$0x70];
	v12 =	vor.u32 v1, v12;
	v6 =	vshll.u32 v6, $0x4;
	v18 =	vtrunc.f32 v9  }
0x15e: {  	v20 =	vld [tilespmem:s22+$0x40];
	v19 =	vor.u32 v1, v4;
	v9 =	vcvt.f32.s32 v11;
	v8 =	vshll.u32 v8, $0x4  }
0x15f: {  	v10 =	vld [tilespmem:s22+$0x60];
	v11 =	vcvt.f32.s32 v7;
	v4 =	vor.u32 v1, v8;
	v8 =	vor.u32 v1, v6  }
0x160: {  	v7 =	vtrunc.f32 v15;
	v6 =	vshll.u32 v9, $0x4;
	v9 =	vor.u32 v1, v5;
	[tilespmem:v14+s15+$0x0] =	vst.idx.add.f32.msk $0xffff, v2  }
0x161: {  	v14 =	vcvt.f32.s32 v7;
	[tilespmem:v13+s15+$0x0] =	vst.idx.add.f32.msk $0xffff, v2  }
0x162: {  	v5 =	vshll.u32 v11, $0x4;
	v11 =	vtrunc.f32 v16;
	v7 =	vcvt.f32.s32 v18;
	[tilespmem:v12+s15+$0x0] =	vst.idx.add.f32.msk $0xffff, v2  }
0x163: {  	s23 =	simm.s32 $0x0;
	v13 =	vtrunc.f32 v20;
	v12 =	vshll.u32 v14, $0x4;
	[tilespmem:v19+s15+$0x0] =	vst.idx.add.f32.msk $0xffff, v2;
	v14 =	vtrunc.f32 v17  }
.LBB2_12:
0x164: {  	s23 =	sadd.s32 $0x10, s23;
	v12 =	vor.u32 v1, v12;
	[tilespmem:v8+s15+$0x0] =	vst.idx.add.f32.msk $0xffff, v2;
	v8 =	vcvt.f32.s32 v11;
	v11 =	vcvt.f32.s32 v14;
	s22 =	sadd.s32 $0x100, s22  }
0x165: {  	v7 =	vshll.u32 v7, $0x4;
	p0 =	slt.u32 s23, $0x1F0;
	[tilespmem:v9+s15+$0x0] =	vst.idx.add.f32.msk $0xffff, v2;
	v9 =	vcvt.f32.s32 v13;
	v10 =	vtrunc.f32 v10  }
0x166: {  	v6 =	vor.u32 v1, v6;
	v13 =	vld [tilespmem:s22+$0xFFFFFFD0];
	v10 =	vcvt.f32.s32 v10;
	v11 =	vshll.u32 v11, $0x4  }
0x167: {  	v8 =	vshll.u32 v8, $0x4;
	v14 =	vld [tilespmem:s22+$0xFFFFFF90];
	v9 =	vshll.u32 v9, $0x4;
	v11 =	vor.u32 v1, v11  }
0x168: {  	v15 =	vld [tilespmem:s22+$0xFFFFFFA0];
	v10 =	vshll.u32 v10, $0x4  }
0x169: {  	v16 =	vld [tilespmem:s22+$0xFFFFFFB0];
	v10 =	vor.u32 v1, v10  }
0x16a: {  	v17 =	vld [tilespmem:s22+$0xFFFFFFC0]  }
0x16b: {  	v3 =	vcvt.f32.s32 v3;
	v18 =	vld [tilespmem:s22+$0xFFFFFFE0]  }
0x16c: {  	v19 =	vld [tilespmem:s22+$0xFFFFFFF0]  }
0x16d: {  	v3 =	vshll.u32 v3, $0x4;
	[tilespmem:v4+s15+$0x0] =	vst.idx.add.f32.msk $0xffff, v2  }
0x16e: {  	v20 =	vor.u32 v1, v3;
	v3 =	vor.u32 v1, v9;
	v4 =	vld [tilespmem:s22+$0x0]  }
0x16f: {  	v9 =	vld [tilespmem:s22+$0x10]  }
0x170: {  	v5 =	vor.u32 v1, v5;
	v18 =	vtrunc.f32 v18;
	v21 =	vld [tilespmem:s22+$0x20]  }
0x171: {  	v22 =	vld [tilespmem:s22+$0x30]  }
0x172: {  	[tilespmem:v10+s15+$0x0] =	vst.idx.add.f32.msk $0xffff, v2  }
0x173: {  	v7 =	vor.u32 v1, v7;
	[tilespmem:v3+s15+$0x0] =	vst.idx.add.f32.msk $0xffff, v2  }
0x174: {  	v8 =	vor.u32 v1, v8;
	v3 =	vtrunc.f32 v4;
	v4 =	vtrunc.f32 v9;
	[tilespmem:v12+s15+$0x0] =	vst.idx.add.f32.msk $0xffff, v2  }
0x175: {  	v9 =	vtrunc.f32 v19;
	v4 =	vcvt.f32.s32 v4;
	[tilespmem:v5+s15+$0x0] =	vst.idx.add.f32.msk $0xffff, v2  }
0x176: {  	v5 =	vcvt.f32.s32 v9;
	v9 =	vtrunc.f32 v22;
	[tilespmem:v11+s15+$0x0] =	vst.idx.add.f32.msk $0xffff, v2  }
0x177: {  	v10 =	vcvt.f32.s32 v18;
	v11 =	vcvt.f32.s32 v3;
	v4 =	vshll.u32 v4, $0x4;
	[tilespmem:v6+s15+$0x0] =	vst.idx.add.f32.msk $0xffff, v2  }
0x178: {  	v3 =	vtrunc.f32 v17;
	v6 =	vtrunc.f32 v21;
	[tilespmem:v20+s15+$0x0] =	vst.idx.add.f32.msk $0xffff, v2  }
0x179: {  	v12 =	vtrunc.f32 v16;
	v5 =	vshll.u32 v5, $0x4;
	v6 =	vcvt.f32.s32 v6;
	[tilespmem:v8+s15+$0x0] =	vst.idx.add.f32.msk $0xffff, v2  }
0x17a: {  	v9 =	vcvt.f32.s32 v9;
	v5 =	vor.u32 v1, v5;
	v8 =	vtrunc.f32 v15;
	[tilespmem:v7+s15+$0x0] =	vst.idx.add.f32.msk $0xffff, v2  }
0x17b: {  	v14 =	vtrunc.f32 v14;
	v10 =	vshll.u32 v10, $0x4;
	v6 =	vshll.u32 v6, $0x4;
	v7 =	vld [tilespmem:s22+$0xFFFFFF80]  }
0x17c: {  	v14 =	vcvt.f32.s32 v14;
	v15 =	vor.u32 v1, v4;
	v9 =	vshll.u32 v9, $0x4;
	v16 =	vld [tilespmem:s22+$0x50]  }
0x17d: {  	v13 =	vtrunc.f32 v13;
	v17 =	vor.u32 v1, v10;
	v10 =	vshll.u32 v11, $0x4;
	v18 =	vld [tilespmem:s22+$0x70]  }
0x17e: {  	v4 =	vshll.u32 v14, $0x4;
	v11 =	vcvt.f32.s32 v8;
	v14 =	vor.u32 v1, v6;
	v19 =	vld [tilespmem:s22+$0x40]  }
.Ltmp5:
0x17f: {  	v12 =	vcvt.f32.s32 v12;
	v4 =	vor.u32 v1, v4;
	v8 =	vor.u32 v1, v9;
	[tilespmem:v5+s15+$0x0] =	vst.idx.add.f32.msk $0xffff, v2;
	(pc) =	sbr.rel @p0 .LBB2_12-.Ltmp5, $4  }
0x180: {  	v9 =	vor.u32 v1, v10;
	v6 =	vshll.u32 v11, $0x4;
	v5 =	vtrunc.f32 v7;
	v10 =	vld [tilespmem:s22+$0x60]  }
0x181: {  	v7 =	vcvt.f32.s32 v13;
	v20 =	vcvt.f32.s32 v5;
	[tilespmem:v15+s15+$0x0] =	vst.idx.add.f32.msk $0xffff, v2  }
0x182: {  	v5 =	vshll.u32 v12, $0x4;
	v11 =	vtrunc.f32 v16;
	[tilespmem:v17+s15+$0x0] =	vst.idx.add.f32.msk $0xffff, v2  }
0x183: {  	v12 =	vshll.u32 v20, $0x4;
	[tilespmem:v14+s15+$0x0] =	vst.idx.add.f32.msk $0xffff, v2;
	v13 =	vtrunc.f32 v19;
	v14 =	vtrunc.f32 v18  }
0x184: {  	_ =	sdelay $0x1  }
0x185: {  	v12 =	vor.u32 v1, v12  }
0x186: {  	v13 =	vcvt.f32.s32 v13;
	v14 =	vcvt.f32.s32 v14;
	v5 =	vor.u32 v1, v5  }
0x187: {  	v3 =	vcvt.f32.s32 v3;
	[tilespmem:v4+s15+$0x0] =	vst.idx.add.f32.msk $0xffff, v2;
	v4 =	vor.u32 v1, v6;
	v7 =	vshll.u32 v7, $0x4  }
0x188: {  	[tilespmem:v9+s15+$0x0] =	vst.idx.add.f32.msk $0xffff, v2;
	v9 =	vcvt.f32.s32 v11;
	v7 =	vor.u32 v1, v7;
	v13 =	vshll.u32 v13, $0x4  }
0x189: {  	[tilespmem:v8+s15+$0x0] =	vst.idx.add.f32.msk $0xffff, v2;
	v10 =	vtrunc.f32 v10;
	v8 =	vshll.u32 v14, $0x4;
	v13 =	vor.u32 v1, v13  }
0x18a: {  	v10 =	vcvt.f32.s32 v10;
	v3 =	vshll.u32 v3, $0x4;
	v8 =	vor.u32 v1, v8;
	[tilespmem:v12+s15+$0x0] =	vst.idx.add.f32.msk $0xffff, v2  }
0x18b: {  	v6 =	vshll.u32 v9, $0x4;
	v3 =	vor.u32 v1, v3;
	[tilespmem:v5+s15+$0x0] =	vst.idx.add.f32.msk $0xffff, v2  }
0x18c: {  	v6 =	vor.u32 v1, v6;
	v10 =	vshll.u32 v10, $0x4;
	[tilespmem:v4+s15+$0x0] =	vst.idx.add.f32.msk $0xffff, v2  }
0x18d: {  	v10 =	vor.u32 v1, v10;
	[tilespmem:v7+s15+$0x0] =	vst.idx.add.f32.msk $0xffff, v2  }
0x18e: {  	[tilespmem:v13+s15+$0x0] =	vst.idx.add.f32.msk $0xffff, v2  }
0x18f: {  	[tilespmem:v8+s15+$0x0] =	vst.idx.add.f32.msk $0xffff, v2  }
0x190: {  	[tilespmem:v3+s15+$0x0] =	vst.idx.add.f32.msk $0xffff, v2  }
0x191: {  	[tilespmem:v6+s15+$0x0] =	vst.idx.add.f32.msk $0xffff, v2  }
0x192: {  	[tilespmem:v10+s15+$0x0] =	vst.idx.add.f32.msk $0xffff, v2  }
0x193: {  	[tilespmem:s2], [sflag:$0x1] =	stream.linear.gather [hbm4b:s9+s2], $0x2000, $0x38;
	[tilespmem:$0x5100] =	vst v63  }
0x194: {  	_ =	swait.ge [sflag:s16], $0x2000  }
0x195: {  	[sflag:s16] =	ssyncset.done $0x0  }
0x196: {  	s22 =	simm.s32 $0x2080;
	[sflag:s16] =	ssyncadd.s32 $0xFFFFE000  }
0x197: {  	v3 =	vld [tilespmem:s22+$0xFFFFFFE0]  }
0x198: {  	v4 =	vld [tilespmem:s22+$0xFFFFFFF0]  }
0x199: {  	v5 =	vld [tilespmem:s22+$0x0]  }
0x19a: {  	v6 =	vld [tilespmem:s22+$0x10]  }
0x19b: {  	v8 =	vld [tilespmem:s22+$0x30]  }
0x19c: {  	v10 =	vld [tilespmem:s22+$0x20]  }
0x19d: {  	v7 =	vld [tilespmem:s22+$0xFFFFFFB0];
	_ =	sdelay $0x1  }
0x19e: {  	v9 =	vld [tilespmem:s22+$0xFFFFFFC0];
	v3 =	vtrunc.f32 v3;
	v5 =	vtrunc.f32 v5  }
0x19f: {  	v11 =	vld [tilespmem:s22+$0xFFFFFFA0];
	v6 =	vtrunc.f32 v6;
	v4 =	vtrunc.f32 v4  }
0x1a0: {  	v8 =	vtrunc.f32 v8;
	v10 =	vtrunc.f32 v10  }
0x1a1: {  	v12 =	vld [tilespmem:s22+$0xFFFFFF90];
	v7 =	vtrunc.f32 v7;
	v6 =	vcvt.f32.s32 v6  }
0x1a2: {  	v4 =	vcvt.f32.s32 v4;
	v13 =	vcvt.f32.s32 v3  }
0x1a3: {  	v5 =	vcvt.f32.s32 v5;
	v3 =	vtrunc.f32 v9;
	v9 =	vld [tilespmem:s22+$0xFFFFFFD0]  }
0x1a4: {  	v11 =	vtrunc.f32 v11;
	v10 =	vcvt.f32.s32 v10;
	v4 =	vshll.u32 v4, $0x4  }
0x1a5: {  	v5 =	vshll.u32 v5, $0x4;
	v14 =	vor.u32 v1, v4;
	v4 =	vshll.u32 v6, $0x4  }
0x1a6: {  	v15 =	vld [tilespmem:s22+$0xFFFFFF80];
	v6 =	vcvt.f32.s32 v8;
	v8 =	vtrunc.f32 v12;
	v12 =	vshll.u32 v13, $0x4  }
0x1a7: {  	v16 =	vld [tilespmem:s22+$0x50];
	v8 =	vcvt.f32.s32 v8;
	v13 =	vor.u32 v1, v4;
	v4 =	vshll.u32 v10, $0x4  }
0x1a8: {  	v17 =	vld [tilespmem:s22+$0x70];
	v12 =	vor.u32 v1, v12;
	v6 =	vshll.u32 v6, $0x4;
	v18 =	vtrunc.f32 v9  }
0x1a9: {  	v20 =	vld [tilespmem:s22+$0x40];
	v19 =	vor.u32 v1, v4;
	v9 =	vcvt.f32.s32 v11;
	v8 =	vshll.u32 v8, $0x4  }
0x1aa: {  	v10 =	vld [tilespmem:s22+$0x60];
	v11 =	vcvt.f32.s32 v7;
	v4 =	vor.u32 v1, v8;
	v8 =	vor.u32 v1, v6  }
0x1ab: {  	v7 =	vtrunc.f32 v15;
	v6 =	vshll.u32 v9, $0x4;
	v9 =	vor.u32 v1, v5;
	[tilespmem:v14+s15+$0x0] =	vst.idx.add.f32.msk $0xffff, v2  }
0x1ac: {  	v14 =	vcvt.f32.s32 v7;
	[tilespmem:v13+s15+$0x0] =	vst.idx.add.f32.msk $0xffff, v2  }
0x1ad: {  	v5 =	vshll.u32 v11, $0x4;
	v11 =	vtrunc.f32 v16;
	v7 =	vcvt.f32.s32 v18;
	[tilespmem:v12+s15+$0x0] =	vst.idx.add.f32.msk $0xffff, v2  }
0x1ae: {  	s23 =	simm.s32 $0x0;
	v13 =	vtrunc.f32 v20;
	v12 =	vshll.u32 v14, $0x4;
	[tilespmem:v19+s15+$0x0] =	vst.idx.add.f32.msk $0xffff, v2;
	v14 =	vtrunc.f32 v17  }
.LBB2_14:
0x1af: {  	s23 =	sadd.s32 $0x10, s23;
	v12 =	vor.u32 v1, v12;
	[tilespmem:v8+s15+$0x0] =	vst.idx.add.f32.msk $0xffff, v2;
	v8 =	vcvt.f32.s32 v11;
	v11 =	vcvt.f32.s32 v14;
	s22 =	sadd.s32 $0x100, s22  }
0x1b0: {  	v7 =	vshll.u32 v7, $0x4;
	p0 =	slt.u32 s23, $0x1F0;
	[tilespmem:v9+s15+$0x0] =	vst.idx.add.f32.msk $0xffff, v2;
	v9 =	vcvt.f32.s32 v13;
	v10 =	vtrunc.f32 v10  }
0x1b1: {  	v6 =	vor.u32 v1, v6;
	v13 =	vld [tilespmem:s22+$0xFFFFFFD0];
	v10 =	vcvt.f32.s32 v10;
	v11 =	vshll.u32 v11, $0x4  }
0x1b2: {  	v8 =	vshll.u32 v8, $0x4;
	v14 =	vld [tilespmem:s22+$0xFFFFFF90];
	v9 =	vshll.u32 v9, $0x4;
	v11 =	vor.u32 v1, v11  }
0x1b3: {  	v15 =	vld [tilespmem:s22+$0xFFFFFFA0];
	v10 =	vshll.u32 v10, $0x4  }
0x1b4: {  	v16 =	vld [tilespmem:s22+$0xFFFFFFB0];
	v10 =	vor.u32 v1, v10  }
0x1b5: {  	v17 =	vld [tilespmem:s22+$0xFFFFFFC0]  }
0x1b6: {  	v3 =	vcvt.f32.s32 v3;
	v18 =	vld [tilespmem:s22+$0xFFFFFFE0]  }
0x1b7: {  	v19 =	vld [tilespmem:s22+$0xFFFFFFF0]  }
0x1b8: {  	v3 =	vshll.u32 v3, $0x4;
	[tilespmem:v4+s15+$0x0] =	vst.idx.add.f32.msk $0xffff, v2  }
0x1b9: {  	v20 =	vor.u32 v1, v3;
	v3 =	vor.u32 v1, v9;
	v4 =	vld [tilespmem:s22+$0x0]  }
0x1ba: {  	v9 =	vld [tilespmem:s22+$0x10]  }
0x1bb: {  	v5 =	vor.u32 v1, v5;
	v18 =	vtrunc.f32 v18;
	v21 =	vld [tilespmem:s22+$0x20]  }
0x1bc: {  	v22 =	vld [tilespmem:s22+$0x30]  }
0x1bd: {  	[tilespmem:v10+s15+$0x0] =	vst.idx.add.f32.msk $0xffff, v2  }
0x1be: {  	v7 =	vor.u32 v1, v7;
	[tilespmem:v3+s15+$0x0] =	vst.idx.add.f32.msk $0xffff, v2  }
0x1bf: {  	v8 =	vor.u32 v1, v8;
	v3 =	vtrunc.f32 v4;
	v4 =	vtrunc.f32 v9;
	[tilespmem:v12+s15+$0x0] =	vst.idx.add.f32.msk $0xffff, v2  }
0x1c0: {  	v9 =	vtrunc.f32 v19;
	v4 =	vcvt.f32.s32 v4;
	[tilespmem:v5+s15+$0x0] =	vst.idx.add.f32.msk $0xffff, v2  }
0x1c1: {  	v5 =	vcvt.f32.s32 v9;
	v9 =	vtrunc.f32 v22;
	[tilespmem:v11+s15+$0x0] =	vst.idx.add.f32.msk $0xffff, v2  }
0x1c2: {  	v10 =	vcvt.f32.s32 v18;
	v11 =	vcvt.f32.s32 v3;
	v4 =	vshll.u32 v4, $0x4;
	[tilespmem:v6+s15+$0x0] =	vst.idx.add.f32.msk $0xffff, v2  }
0x1c3: {  	v3 =	vtrunc.f32 v17;
	v6 =	vtrunc.f32 v21;
	[tilespmem:v20+s15+$0x0] =	vst.idx.add.f32.msk $0xffff, v2  }
0x1c4: {  	v12 =	vtrunc.f32 v16;
	v5 =	vshll.u32 v5, $0x4;
	v6 =	vcvt.f32.s32 v6;
	[tilespmem:v8+s15+$0x0] =	vst.idx.add.f32.msk $0xffff, v2  }
0x1c5: {  	v9 =	vcvt.f32.s32 v9;
	v5 =	vor.u32 v1, v5;
	v8 =	vtrunc.f32 v15;
	[tilespmem:v7+s15+$0x0] =	vst.idx.add.f32.msk $0xffff, v2  }
0x1c6: {  	v14 =	vtrunc.f32 v14;
	v10 =	vshll.u32 v10, $0x4;
	v6 =	vshll.u32 v6, $0x4;
	v7 =	vld [tilespmem:s22+$0xFFFFFF80]  }
0x1c7: {  	v14 =	vcvt.f32.s32 v14;
	v15 =	vor.u32 v1, v4;
	v9 =	vshll.u32 v9, $0x4;
	v16 =	vld [tilespmem:s22+$0x50]  }
0x1c8: {  	v13 =	vtrunc.f32 v13;
	v17 =	vor.u32 v1, v10;
	v10 =	vshll.u32 v11, $0x4;
	v18 =	vld [tilespmem:s22+$0x70]  }
0x1c9: {  	v4 =	vshll.u32 v14, $0x4;
	v11 =	vcvt.f32.s32 v8;
	v14 =	vor.u32 v1, v6;
	v19 =	vld [tilespmem:s22+$0x40]  }
.Ltmp6:
0x1ca: {  	v12 =	vcvt.f32.s32 v12;
	v4 =	vor.u32 v1, v4;
	v8 =	vor.u32 v1, v9;
	[tilespmem:v5+s15+$0x0] =	vst.idx.add.f32.msk $0xffff, v2;
	(pc) =	sbr.rel @p0 .LBB2_14-.Ltmp6, $4  }
0x1cb: {  	v9 =	vor.u32 v1, v10;
	v6 =	vshll.u32 v11, $0x4;
	v5 =	vtrunc.f32 v7;
	v10 =	vld [tilespmem:s22+$0x60]  }
0x1cc: {  	v7 =	vcvt.f32.s32 v13;
	v20 =	vcvt.f32.s32 v5;
	[tilespmem:v15+s15+$0x0] =	vst.idx.add.f32.msk $0xffff, v2  }
0x1cd: {  	v5 =	vshll.u32 v12, $0x4;
	v11 =	vtrunc.f32 v16;
	[tilespmem:v17+s15+$0x0] =	vst.idx.add.f32.msk $0xffff, v2  }
0x1ce: {  	v12 =	vshll.u32 v20, $0x4;
	[tilespmem:v14+s15+$0x0] =	vst.idx.add.f32.msk $0xffff, v2;
	v13 =	vtrunc.f32 v19;
	v14 =	vtrunc.f32 v18  }
0x1cf: {  	_ =	sdelay $0x1  }
0x1d0: {  	v12 =	vor.u32 v1, v12  }
0x1d1: {  	v13 =	vcvt.f32.s32 v13;
	v14 =	vcvt.f32.s32 v14;
	v5 =	vor.u32 v1, v5  }
0x1d2: {  	v3 =	vcvt.f32.s32 v3;
	[tilespmem:v4+s15+$0x0] =	vst.idx.add.f32.msk $0xffff, v2;
	v4 =	vor.u32 v1, v6;
	v7 =	vshll.u32 v7, $0x4  }
0x1d3: {  	[tilespmem:v9+s15+$0x0] =	vst.idx.add.f32.msk $0xffff, v2;
	v9 =	vcvt.f32.s32 v11;
	v7 =	vor.u32 v1, v7;
	v13 =	vshll.u32 v13, $0x4  }
0x1d4: {  	[tilespmem:v8+s15+$0x0] =	vst.idx.add.f32.msk $0xffff, v2;
	v10 =	vtrunc.f32 v10;
	v8 =	vshll.u32 v14, $0x4;
	v13 =	vor.u32 v1, v13  }
0x1d5: {  	v10 =	vcvt.f32.s32 v10;
	v3 =	vshll.u32 v3, $0x4;
	v8 =	vor.u32 v1, v8;
	[tilespmem:v12+s15+$0x0] =	vst.idx.add.f32.msk $0xffff, v2  }
0x1d6: {  	v6 =	vshll.u32 v9, $0x4;
	v3 =	vor.u32 v1, v3;
	[tilespmem:v5+s15+$0x0] =	vst.idx.add.f32.msk $0xffff, v2  }
0x1d7: {  	v6 =	vor.u32 v1, v6;
	v10 =	vshll.u32 v10, $0x4;
	[tilespmem:v4+s15+$0x0] =	vst.idx.add.f32.msk $0xffff, v2  }
0x1d8: {  	v10 =	vor.u32 v1, v10;
	[tilespmem:v7+s15+$0x0] =	vst.idx.add.f32.msk $0xffff, v2  }
0x1d9: {  	[tilespmem:v13+s15+$0x0] =	vst.idx.add.f32.msk $0xffff, v2  }
0x1da: {  	[tilespmem:v8+s15+$0x0] =	vst.idx.add.f32.msk $0xffff, v2  }
0x1db: {  	[tilespmem:v3+s15+$0x0] =	vst.idx.add.f32.msk $0xffff, v2  }
0x1dc: {  	[tilespmem:v6+s15+$0x0] =	vst.idx.add.f32.msk $0xffff, v2  }
0x1dd: {  	[tilespmem:v10+s15+$0x0] =	vst.idx.add.f32.msk $0xffff, v2  }
0x1de: {  	[tilespmem:s13], [sflag:$0x2] =	stream.linear.gather [hbm4b:s10+s2], $0x2000, $0x38;
	[tilespmem:$0x5100] =	vst v63  }
0x1df: {  	_ =	swait.ge [sflag:s14], $0x2000  }
0x1e0: {  	[sflag:s14] =	ssyncset.done $0x0  }
0x1e1: {  	s22 =	simm.s32 $0x80;
	[sflag:s14] =	ssyncadd.s32 $0xFFFFE000  }
0x1e2: {  	v3 =	vld [tilespmem:s22+$0xFFFFFFE0]  }
0x1e3: {  	v4 =	vld [tilespmem:s22+$0xFFFFFFF0]  }
0x1e4: {  	v5 =	vld [tilespmem:s22+$0x0]  }
0x1e5: {  	v6 =	vld [tilespmem:s22+$0x10]  }
0x1e6: {  	v8 =	vld [tilespmem:s22+$0x30]  }
0x1e7: {  	v10 =	vld [tilespmem:s22+$0x20]  }
0x1e8: {  	v7 =	vld [tilespmem:s22+$0xFFFFFFB0];
	_ =	sdelay $0x1  }
0x1e9: {  	v9 =	vld [tilespmem:s22+$0xFFFFFFC0];
	v3 =	vtrunc.f32 v3;
	v5 =	vtrunc.f32 v5  }
0x1ea: {  	v11 =	vld [tilespmem:s22+$0xFFFFFFA0];
	v6 =	vtrunc.f32 v6;
	v4 =	vtrunc.f32 v4  }
0x1eb: {  	v8 =	vtrunc.f32 v8;
	v10 =	vtrunc.f32 v10  }
0x1ec: {  	v12 =	vld [tilespmem:s22+$0xFFFFFF90];
	v7 =	vtrunc.f32 v7;
	v6 =	vcvt.f32.s32 v6  }
0x1ed: {  	v4 =	vcvt.f32.s32 v4;
	v13 =	vcvt.f32.s32 v3  }
0x1ee: {  	v5 =	vcvt.f32.s32 v5;
	v3 =	vtrunc.f32 v9;
	v9 =	vld [tilespmem:s22+$0xFFFFFFD0]  }
0x1ef: {  	v11 =	vtrunc.f32 v11;
	v10 =	vcvt.f32.s32 v10;
	v4 =	vshll.u32 v4, $0x4  }
0x1f0: {  	v5 =	vshll.u32 v5, $0x4;
	v14 =	vor.u32 v1, v4;
	v4 =	vshll.u32 v6, $0x4  }
0x1f1: {  	v15 =	vld [tilespmem:s22+$0xFFFFFF80];
	v6 =	vcvt.f32.s32 v8;
	v8 =	vtrunc.f32 v12;
	v12 =	vshll.u32 v13, $0x4  }
0x1f2: {  	v16 =	vld [tilespmem:s22+$0x50];
	v8 =	vcvt.f32.s32 v8;
	v13 =	vor.u32 v1, v4;
	v4 =	vshll.u32 v10, $0x4  }
0x1f3: {  	v17 =	vld [tilespmem:s22+$0x70];
	v12 =	vor.u32 v1, v12;
	v6 =	vshll.u32 v6, $0x4;
	v18 =	vtrunc.f32 v9  }
0x1f4: {  	v20 =	vld [tilespmem:s22+$0x40];
	v19 =	vor.u32 v1, v4;
	v9 =	vcvt.f32.s32 v11;
	v8 =	vshll.u32 v8, $0x4  }
0x1f5: {  	v10 =	vld [tilespmem:s22+$0x60];
	v11 =	vcvt.f32.s32 v7;
	v4 =	vor.u32 v1, v8;
	v8 =	vor.u32 v1, v6  }
0x1f6: {  	v7 =	vtrunc.f32 v15;
	v6 =	vshll.u32 v9, $0x4;
	v9 =	vor.u32 v1, v5;
	[tilespmem:v14+s15+$0x0] =	vst.idx.add.f32.msk $0xffff, v2  }
0x1f7: {  	v14 =	vcvt.f32.s32 v7;
	[tilespmem:v13+s15+$0x0] =	vst.idx.add.f32.msk $0xffff, v2  }
0x1f8: {  	v5 =	vshll.u32 v11, $0x4;
	v11 =	vtrunc.f32 v16;
	v7 =	vcvt.f32.s32 v18;
	[tilespmem:v12+s15+$0x0] =	vst.idx.add.f32.msk $0xffff, v2  }
0x1f9: {  	s23 =	simm.s32 $0x0;
	v13 =	vtrunc.f32 v20;
	v12 =	vshll.u32 v14, $0x4;
	[tilespmem:v19+s15+$0x0] =	vst.idx.add.f32.msk $0xffff, v2;
	v14 =	vtrunc.f32 v17  }
.LBB2_16:
0x1fa: {  	s23 =	sadd.s32 $0x10, s23;
	v12 =	vor.u32 v1, v12;
	[tilespmem:v8+s15+$0x0] =	vst.idx.add.f32.msk $0xffff, v2;
	v8 =	vcvt.f32.s32 v11;
	v11 =	vcvt.f32.s32 v14;
	s22 =	sadd.s32 $0x100, s22  }
0x1fb: {  	v7 =	vshll.u32 v7, $0x4;
	p0 =	slt.u32 s23, $0x1F0;
	[tilespmem:v9+s15+$0x0] =	vst.idx.add.f32.msk $0xffff, v2;
	v9 =	vcvt.f32.s32 v13;
	v10 =	vtrunc.f32 v10  }
0x1fc: {  	v6 =	vor.u32 v1, v6;
	v13 =	vld [tilespmem:s22+$0xFFFFFFD0];
	v10 =	vcvt.f32.s32 v10;
	v11 =	vshll.u32 v11, $0x4  }
0x1fd: {  	v8 =	vshll.u32 v8, $0x4;
	v14 =	vld [tilespmem:s22+$0xFFFFFF90];
	v9 =	vshll.u32 v9, $0x4;
	v11 =	vor.u32 v1, v11  }
0x1fe: {  	v15 =	vld [tilespmem:s22+$0xFFFFFFA0];
	v10 =	vshll.u32 v10, $0x4  }
0x1ff: {  	v16 =	vld [tilespmem:s22+$0xFFFFFFB0];
	v10 =	vor.u32 v1, v10  }
0x200: {  	v17 =	vld [tilespmem:s22+$0xFFFFFFC0]  }
0x201: {  	v3 =	vcvt.f32.s32 v3;
	v18 =	vld [tilespmem:s22+$0xFFFFFFE0]  }
0x202: {  	v19 =	vld [tilespmem:s22+$0xFFFFFFF0]  }
0x203: {  	v3 =	vshll.u32 v3, $0x4;
	[tilespmem:v4+s15+$0x0] =	vst.idx.add.f32.msk $0xffff, v2  }
0x204: {  	v20 =	vor.u32 v1, v3;
	v3 =	vor.u32 v1, v9;
	v4 =	vld [tilespmem:s22+$0x0]  }
0x205: {  	v9 =	vld [tilespmem:s22+$0x10]  }
0x206: {  	v5 =	vor.u32 v1, v5;
	v18 =	vtrunc.f32 v18;
	v21 =	vld [tilespmem:s22+$0x20]  }
0x207: {  	v22 =	vld [tilespmem:s22+$0x30]  }
0x208: {  	[tilespmem:v10+s15+$0x0] =	vst.idx.add.f32.msk $0xffff, v2  }
0x209: {  	v7 =	vor.u32 v1, v7;
	[tilespmem:v3+s15+$0x0] =	vst.idx.add.f32.msk $0xffff, v2  }
0x20a: {  	v8 =	vor.u32 v1, v8;
	v3 =	vtrunc.f32 v4;
	v4 =	vtrunc.f32 v9;
	[tilespmem:v12+s15+$0x0] =	vst.idx.add.f32.msk $0xffff, v2  }
0x20b: {  	v9 =	vtrunc.f32 v19;
	v4 =	vcvt.f32.s32 v4;
	[tilespmem:v5+s15+$0x0] =	vst.idx.add.f32.msk $0xffff, v2  }
0x20c: {  	v5 =	vcvt.f32.s32 v9;
	v9 =	vtrunc.f32 v22;
	[tilespmem:v11+s15+$0x0] =	vst.idx.add.f32.msk $0xffff, v2  }
0x20d: {  	v10 =	vcvt.f32.s32 v18;
	v11 =	vcvt.f32.s32 v3;
	v4 =	vshll.u32 v4, $0x4;
	[tilespmem:v6+s15+$0x0] =	vst.idx.add.f32.msk $0xffff, v2  }
0x20e: {  	v3 =	vtrunc.f32 v17;
	v6 =	vtrunc.f32 v21;
	[tilespmem:v20+s15+$0x0] =	vst.idx.add.f32.msk $0xffff, v2  }
0x20f: {  	v12 =	vtrunc.f32 v16;
	v5 =	vshll.u32 v5, $0x4;
	v6 =	vcvt.f32.s32 v6;
	[tilespmem:v8+s15+$0x0] =	vst.idx.add.f32.msk $0xffff, v2  }
0x210: {  	v9 =	vcvt.f32.s32 v9;
	v5 =	vor.u32 v1, v5;
	v8 =	vtrunc.f32 v15;
	[tilespmem:v7+s15+$0x0] =	vst.idx.add.f32.msk $0xffff, v2  }
0x211: {  	v14 =	vtrunc.f32 v14;
	v10 =	vshll.u32 v10, $0x4;
	v6 =	vshll.u32 v6, $0x4;
	v7 =	vld [tilespmem:s22+$0xFFFFFF80]  }
0x212: {  	v14 =	vcvt.f32.s32 v14;
	v15 =	vor.u32 v1, v4;
	v9 =	vshll.u32 v9, $0x4;
	v16 =	vld [tilespmem:s22+$0x50]  }
0x213: {  	v13 =	vtrunc.f32 v13;
	v17 =	vor.u32 v1, v10;
	v10 =	vshll.u32 v11, $0x4;
	v18 =	vld [tilespmem:s22+$0x70]  }
0x214: {  	v4 =	vshll.u32 v14, $0x4;
	v11 =	vcvt.f32.s32 v8;
	v14 =	vor.u32 v1, v6;
	v19 =	vld [tilespmem:s22+$0x40]  }
.Ltmp7:
0x215: {  	v12 =	vcvt.f32.s32 v12;
	v4 =	vor.u32 v1, v4;
	v8 =	vor.u32 v1, v9;
	[tilespmem:v5+s15+$0x0] =	vst.idx.add.f32.msk $0xffff, v2;
	(pc) =	sbr.rel @p0 .LBB2_16-.Ltmp7, $4  }
0x216: {  	v9 =	vor.u32 v1, v10;
	v6 =	vshll.u32 v11, $0x4;
	v5 =	vtrunc.f32 v7;
	v10 =	vld [tilespmem:s22+$0x60]  }
0x217: {  	v7 =	vcvt.f32.s32 v13;
	v20 =	vcvt.f32.s32 v5;
	[tilespmem:v15+s15+$0x0] =	vst.idx.add.f32.msk $0xffff, v2  }
0x218: {  	v5 =	vshll.u32 v12, $0x4;
	v11 =	vtrunc.f32 v16;
	[tilespmem:v17+s15+$0x0] =	vst.idx.add.f32.msk $0xffff, v2  }
0x219: {  	v12 =	vshll.u32 v20, $0x4;
	[tilespmem:v14+s15+$0x0] =	vst.idx.add.f32.msk $0xffff, v2;
	v13 =	vtrunc.f32 v19;
	v14 =	vtrunc.f32 v18  }
0x21a: {  	_ =	sdelay $0x1  }
0x21b: {  	v12 =	vor.u32 v1, v12  }
0x21c: {  	v13 =	vcvt.f32.s32 v13;
	v14 =	vcvt.f32.s32 v14;
	v5 =	vor.u32 v1, v5  }
0x21d: {  	v3 =	vcvt.f32.s32 v3;
	[tilespmem:v4+s15+$0x0] =	vst.idx.add.f32.msk $0xffff, v2;
	v4 =	vor.u32 v1, v6;
	v7 =	vshll.u32 v7, $0x4  }
0x21e: {  	[tilespmem:v9+s15+$0x0] =	vst.idx.add.f32.msk $0xffff, v2;
	v9 =	vcvt.f32.s32 v11;
	v7 =	vor.u32 v1, v7;
	v13 =	vshll.u32 v13, $0x4  }
0x21f: {  	[tilespmem:v8+s15+$0x0] =	vst.idx.add.f32.msk $0xffff, v2;
	v10 =	vtrunc.f32 v10;
	v8 =	vshll.u32 v14, $0x4;
	v13 =	vor.u32 v1, v13  }
0x220: {  	v10 =	vcvt.f32.s32 v10;
	v3 =	vshll.u32 v3, $0x4;
	v8 =	vor.u32 v1, v8;
	[tilespmem:v12+s15+$0x0] =	vst.idx.add.f32.msk $0xffff, v2  }
0x221: {  	v6 =	vshll.u32 v9, $0x4;
	v3 =	vor.u32 v1, v3;
	[tilespmem:v5+s15+$0x0] =	vst.idx.add.f32.msk $0xffff, v2  }
0x222: {  	v6 =	vor.u32 v1, v6;
	v10 =	vshll.u32 v10, $0x4;
	[tilespmem:v4+s15+$0x0] =	vst.idx.add.f32.msk $0xffff, v2  }
0x223: {  	v10 =	vor.u32 v1, v10;
	[tilespmem:v7+s15+$0x0] =	vst.idx.add.f32.msk $0xffff, v2  }
0x224: {  	[tilespmem:v13+s15+$0x0] =	vst.idx.add.f32.msk $0xffff, v2  }
0x225: {  	[tilespmem:v8+s15+$0x0] =	vst.idx.add.f32.msk $0xffff, v2  }
0x226: {  	[tilespmem:v3+s15+$0x0] =	vst.idx.add.f32.msk $0xffff, v2  }
0x227: {  	[tilespmem:v6+s15+$0x0] =	vst.idx.add.f32.msk $0xffff, v2  }
0x228: {  	[tilespmem:v10+s15+$0x0] =	vst.idx.add.f32.msk $0xffff, v2  }
0x229: {  	_ =	swait.ge [sflag:s16], $0x2000  }
0x22a: {  	[sflag:s16] =	ssyncset.done $0x0  }
0x22b: {  	s25 =	simm.s32 $0x2080;
	[sflag:s16] =	ssyncadd.s32 $0xFFFFE000  }
0x22c: {  	v3 =	vld [tilespmem:s25+$0x0]  }
0x22d: {  	v4 =	vld [tilespmem:s25+$0x10]  }
0x22e: {  	v5 =	vld [tilespmem:s25+$0x20]  }
0x22f: {  	v6 =	vld [tilespmem:s25+$0xFFFFFFF0]  }
0x230: {  	v7 =	vld [tilespmem:s25+$0x30]  }
0x231: {  	v8 =	vld [tilespmem:s25+$0xFFFFFFE0]  }
0x232: {  	v9 =	vld [tilespmem:s25+$0xFFFFFFC0]  }
0x233: {  	v10 =	vld [tilespmem:s25+$0xFFFFFFA0]  }
0x234: {  	v3 =	vtrunc.f32 v3  }
0x235: {  	v4 =	vtrunc.f32 v4;
	v5 =	vtrunc.f32 v5  }
0x236: {  	v6 =	vtrunc.f32 v6;
	v7 =	vtrunc.f32 v7  }
0x237: {  	v8 =	vtrunc.f32 v8;
	v9 =	vtrunc.f32 v9  }
0x238: {  	v10 =	vtrunc.f32 v10;
	v5 =	vcvt.f32.s32 v5  }
0x239: {  	v11 =	vld [tilespmem:s25+$0xFFFFFFB0];
	v3 =	vcvt.f32.s32 v3;
	v6 =	vcvt.f32.s32 v6  }
0x23a: {  	v59 =	vld [tilespmem:s25+$0xFFFFFF90];
	v4 =	vcvt.f32.s32 v4;
	v7 =	vcvt.f32.s32 v7;
	v5 =	vshll.u32 v5, $0x4  }
0x23b: {  	v60 =	vld [tilespmem:s25+$0xFFFFFFD0];
	v9 =	vcvt.f32.s32 v9;
	v6 =	vshll.u32 v6, $0x4;
	v5 =	vor.u32 v1, v5  }
0x23c: {  	v61 =	vld [tilespmem:s25+$0x40];
	v10 =	vcvt.f32.s32 v10;
	v4 =	vshll.u32 v4, $0x4;
	v6 =	vor.u32 v1, v6  }
0x23d: {  	v17 =	vld [tilespmem:s25+$0x70];
	v3 =	vshll.u32 v3, $0x4;
	v9 =	vshll.u32 v9, $0x4;
	v15 =	vor.u32 v1, v4  }
0x23e: {  	v4 =	vshll.u32 v7, $0x4;
	v7 =	vtrunc.f32 v11;
	v11 =	vld [tilespmem:s25+$0x60];
	v9 =	vor.u32 v1, v9  }
0x23f: {  	v62 =	vld [tilespmem:s25+$0xFFFFFF80];
	v18 =	vor.u32 v1, v3;
	v16 =	vor.u32 v1, v4;
	v4 =	vcvt.f32.s32 v7  }
0x240: {  	v8 =	vcvt.f32.s32 v8;
	v3 =	vshll.u32 v10, $0x4;
	v7 =	vtrunc.f32 v59;
	[tilespmem:v5+s15+$0x0] =	vst.idx.add.f32.msk $0xffff, v2  }
0x241: {  	v3 =	vor.u32 v1, v3;
	v63 =	vcvt.f32.s32 v7;
	v4 =	vshll.u32 v4, $0x4;
	[tilespmem:v6+s15+$0x0] =	vst.idx.add.f32.msk $0xffff, v2  }
0x242: {  	v5 =	vtrunc.f32 v60;
	v6 =	vshll.u32 v8, $0x4;
	[tilespmem:v15+s15+$0x0] =	vst.idx.add.f32.msk $0xffff, v2;
	v8 =	vtrunc.f32 v61  }
0x243: {  	[tilespmem:v9+s15+$0x0] =	vst.idx.add.f32.msk $0xffff, v2;
	v10 =	vtrunc.f32 v11;
	v6 =	vor.u32 v1, v6;
	v14 =	vcvt.f32.s32 v8  }
0x244: {  	v9 =	vtrunc.f32 v62;
	[tilespmem:v18+s15+$0x0] =	vst.idx.add.f32.msk $0xffff, v2;
	v7 =	vcvt.f32.s32 v5;
	v5 =	vshll.u32 v63, $0x4  }
0x245: {  	s26 =	simm.s32 $0x0;
	s28 =	simm.s32 $0x2180;
	s22 =	simm.s32 $0x4100;
	[tilespmem:v16+s15+$0x0] =	vst.idx.add.f32.msk $0xffff, v2;
	v8 =	vtrunc.f32 v17;
	v5 =	vor.u32 v1, v5;
	v11 =	vshll.u32 v14, $0x4  }
.LBB2_18:
0x246: {  	s26 =	sadd.s32 $0x10, s26;
	v11 =	vor.u32 v1, v11;
	v12 =	vld [tilespmem:s25+$0x50];
	v10 =	vcvt.f32.s32 v10;
	v8 =	vcvt.f32.s32 v8;
	s23 =	simm.s32 $0xFFFFFFFE;
	s24 =	simm.s32 $0x5010  }
0x247: {  	v7 =	vshll.u32 v7, $0x4;
	s25 =	smov.u32 s28;
	v13 =	vld [tilespmem:s28+$0xFFFFFF90];
	p0 =	slt.u32 s26, $0x1F0  }
0x248: {  	v9 =	vcvt.f32.s32 v9;
	[tilespmem:v6+s15+$0x0] =	vst.idx.add.f32.msk $0xffff, v2;
	v6 =	vshll.u32 v10, $0x4;
	v8 =	vshll.u32 v8, $0x4  }
0x249: {  	v10 =	vld [tilespmem:s28+$0xFFFFFFA0]  }
0x24a: {  	v9 =	vshll.u32 v9, $0x4;
	v14 =	vld [tilespmem:s28+$0xFFFFFFB0]  }
0x24b: {  	v9 =	vor.u32 v1, v9;
	v15 =	vld [tilespmem:s28+$0xFFFFFFC0];
	v12 =	vtrunc.f32 v12  }
0x24c: {  	v6 =	vor.u32 v1, v6;
	v16 =	vld [tilespmem:s28+$0xFFFFFFE0];
	v12 =	vcvt.f32.s32 v12  }
0x24d: {  	v8 =	vor.u32 v1, v8;
	v17 =	vld [tilespmem:s28+$0xFFFFFFF0]  }
0x24e: {  	[tilespmem:v11+s15+$0x0] =	vst.idx.add.f32.msk $0xffff, v2;
	v11 =	vshll.u32 v12, $0x4  }
0x24f: {  	v12 =	vld [tilespmem:s28+$0x0];
	v11 =	vor.u32 v1, v11  }
0x250: {  	v4 =	vor.u32 v1, v4;
	v18 =	vld [tilespmem:s28+$0x10]  }
0x251: {  	v7 =	vor.u32 v1, v7;
	v19 =	vld [tilespmem:s28+$0x20]  }
0x252: {  	[tilespmem:v6+s15+$0x0] =	vst.idx.add.f32.msk $0xffff, v2  }
0x253: {  	v6 =	vld [tilespmem:s28+$0x30]  }
0x254: {  	v12 =	vtrunc.f32 v12;
	[tilespmem:v9+s15+$0x0] =	vst.idx.add.f32.msk $0xffff, v2  }
0x255: {  	v9 =	vcvt.f32.s32 v12;
	v12 =	vtrunc.f32 v18;
	[tilespmem:v11+s15+$0x0] =	vst.idx.add.f32.msk $0xffff, v2  }
0x256: {  	v11 =	vcvt.f32.s32 v12;
	v12 =	vtrunc.f32 v19;
	[tilespmem:v8+s15+$0x0] =	vst.idx.add.f32.msk $0xffff, v2  }
0x257: {  	v8 =	vtrunc.f32 v17;
	v9 =	vshll.u32 v9, $0x4;
	v12 =	vcvt.f32.s32 v12;
	[tilespmem:v4+s15+$0x0] =	vst.idx.add.f32.msk $0xffff, v2  }
0x258: {  	v4 =	vcvt.f32.s32 v8;
	v8 =	vshll.u32 v11, $0x4;
	v6 =	vtrunc.f32 v6;
	[tilespmem:v7+s15+$0x0] =	vst.idx.add.f32.msk $0xffff, v2  }
0x259: {  	v7 =	vtrunc.f32 v16;
	v11 =	vshll.u32 v12, $0x4;
	v6 =	vcvt.f32.s32 v6;
	[tilespmem:v3+s15+$0x0] =	vst.idx.add.f32.msk $0xffff, v2  }
0x25a: {  	v3 =	vtrunc.f32 v15;
	v4 =	vshll.u32 v4, $0x4;
	[tilespmem:v5+s15+$0x0] =	vst.idx.add.f32.msk $0xffff, v2  }
0x25b: {  	v3 =	vcvt.f32.s32 v3;
	v12 =	vor.u32 v1, v4;
	v11 =	vor.u32 v1, v11;
	v5 =	vld [tilespmem:s28+$0xFFFFFFD0]  }
0x25c: {  	v8 =	vor.u32 v1, v8;
	v4 =	vtrunc.f32 v10;
	v6 =	vshll.u32 v6, $0x4;
	v10 =	vld [tilespmem:s28+$0x40]  }
0x25d: {  	v14 =	vtrunc.f32 v14;
	v3 =	vshll.u32 v3, $0x4;
	v15 =	vor.u32 v1, v6;
	v16 =	vld [tilespmem:s28+$0x60]  }
0x25e: {  	v6 =	vtrunc.f32 v13;
	v13 =	vcvt.f32.s32 v14;
	v14 =	vor.u32 v1, v3;
	v17 =	vld [tilespmem:s28+$0x70]  }
0x25f: {  	v7 =	vcvt.f32.s32 v7;
	v3 =	vcvt.f32.s32 v4;
	v18 =	vld [tilespmem:s28+$0xFFFFFF80]  }
0x260: {  	v4 =	vshll.u32 v13, $0x4;
	v13 =	vor.u32 v1, v9;
	v5 =	vtrunc.f32 v5;
	[tilespmem:v11+s15+$0x0] =	vst.idx.add.f32.msk $0xffff, v2  }
.Ltmp8:
0x261: {  	v9 =	vcvt.f32.s32 v6;
	v6 =	vshll.u32 v7, $0x4;
	v3 =	vshll.u32 v3, $0x4;
	[tilespmem:v12+s15+$0x0] =	vst.idx.add.f32.msk $0xffff, v2;
	(pc) =	sbr.rel @p0 .LBB2_18-.Ltmp8, $4  }
0x262: {  	v6 =	vor.u32 v1, v6;
	v3 =	vor.u32 v1, v3;
	[tilespmem:v8+s15+$0x0] =	vst.idx.add.f32.msk $0xffff, v2;
	v8 =	vtrunc.f32 v10  }
0x263: {  	v11 =	vshll.u32 v9, $0x4;
	v7 =	vcvt.f32.s32 v5;
	[tilespmem:v15+s15+$0x0] =	vst.idx.add.f32.msk $0xffff, v2;
	v12 =	vcvt.f32.s32 v8  }
0x264: {  	v10 =	vtrunc.f32 v16;
	v8 =	vtrunc.f32 v17;
	[tilespmem:v14+s15+$0x0] =	vst.idx.add.f32.msk $0xffff, v2  }
0x265: {  	s28 =	sadd.s32 $0x100, s28;
	v5 =	vor.u32 v1, v11;
	v9 =	vtrunc.f32 v18;
	[tilespmem:v13+s15+$0x0] =	vst.idx.add.f32.msk $0xffff, v2;
	v11 =	vshll.u32 v12, $0x4  }
0x266: {  	v12 =	vld [tilespmem:s25+$0x50];
	_ =	sdelay $0x2  }
0x267: {  	v10 =	vcvt.f32.s32 v10;
	v9 =	vcvt.f32.s32 v9;
	v11 =	vor.u32 v1, v11  }
0x268: {  	v8 =	vcvt.f32.s32 v8;
	v7 =	vshll.u32 v7, $0x4;
	v4 =	vor.u32 v1, v4  }
0x269: {  	[tilespmem:v6+s15+$0x0] =	vst.idx.add.f32.msk $0xffff, v2;
	v7 =	vor.u32 v1, v7;
	v10 =	vshll.u32 v10, $0x4;
	v12 =	vtrunc.f32 v12  }
0x26a: {  	[tilespmem:v3+s15+$0x0] =	vst.idx.add.f32.msk $0xffff, v2;
	v9 =	vshll.u32 v9, $0x4;
	v10 =	vor.u32 v1, v10;
	v12 =	vcvt.f32.s32 v12  }
0x26b: {  	[tilespmem:v5+s15+$0x0] =	vst.idx.add.f32.msk $0xffff, v2;
	v8 =	vshll.u32 v8, $0x4;
	v9 =	vor.u32 v1, v9  }
0x26c: {  	v63 =	vor.u32 v1, v8;
	[tilespmem:v11+s15+$0x0] =	vst.idx.add.f32.msk $0xffff, v2;
	v12 =	vshll.u32 v12, $0x4  }
0x26d: {  	[tilespmem:v4+s15+$0x0] =	vst.idx.add.f32.msk $0xffff, v2;
	v12 =	vor.u32 v1, v12  }
0x26e: {  	[tilespmem:v7+s15+$0x0] =	vst.idx.add.f32.msk $0xffff, v2  }
0x26f: {  	[tilespmem:v10+s15+$0x0] =	vst.idx.add.f32.msk $0xffff, v2  }
0x270: {  	[tilespmem:v9+s15+$0x0] =	vst.idx.add.f32.msk $0xffff, v2  }
0x271: {  	[tilespmem:v63+s15+$0x0] =	vst.idx.add.f32.msk $0xffff, v2  }
0x272: {  	[tilespmem:v12+s15+$0x0] =	vst.idx.add.f32.msk $0xffff, v2  }
.LBB2_20:
0x273: {  	v3 =	vld [tilespmem:s22+$0xFFFFFF00]  }
0x274: {  	v4 =	vld [tilespmem:s22+$0xFFFFFF10]  }
0x275: {  	v5 =	vld [tilespmem:s22+$0xFFFFFF20]  }
0x276: {  	v6 =	vld [tilespmem:s22+$0xFFFFFF30]  }
0x277: {  	v7 =	vld [tilespmem:s22+$0xFFFFFF40]  }
0x278: {  	(xrf2) =	vadd.scan.msk.f32 $0xffff, v3;
	v3 =	vld [tilespmem:s22+$0xFFFFFF50]  }
0x279: {  	v46 =	vld [tilespmem:s22+$0xFFFFFF60];
	(xrf2) =	vadd.scan.msk.f32 $0xffff, v4  }
0x27a: {  	v47 =	vld [tilespmem:s22+$0xFFFFFF70];
	(xrf2) =	vadd.scan.msk.f32 $0xffff, v5  }
0x27b: {  	v48 =	vld [tilespmem:s22+$0xFFFFFF80];
	(xrf2) =	vadd.scan.msk.f32 $0xffff, v6  }
0x27c: {  	v49 =	vld [tilespmem:s22+$0xFFFFFF90];
	(xrf2) =	vadd.scan.msk.f32 $0xffff, v7  }
0x27d: {  	(xrf2) =	vadd.scan.msk.f32 $0xffff, v3;
	v3 =	vld [tilespmem:s22+$0xFFFFFFA0]  }
0x27e: {  	v50 =	vld [tilespmem:s22+$0xFFFFFFB0];
	(xrf2) =	vadd.scan.msk.f32 $0xffff, v46  }
0x27f: {  	v51 =	vld [tilespmem:s22+$0xFFFFFFC0];
	(xrf2) =	vadd.scan.msk.f32 $0xffff, v47  }
0x280: {  	v52 =	vld [tilespmem:s22+$0xFFFFFFD0];
	(xrf2) =	vadd.scan.msk.f32 $0xffff, v48  }
0x281: {  	v53 =	vld [tilespmem:s22+$0xFFFFFFE0];
	(xrf2) =	vadd.scan.msk.f32 $0xffff, v49  }
0x282: {  	v8, _, _ =	vpop (xrf2);
	(xrf2) =	vadd.scan.msk.f32 $0xffff, v3;
	v3 =	vld [tilespmem:s22+$0xFFFFFFF0]  }
0x283: {  	v54 =	vld [tilespmem:s22+$0x0];
	v9, _, _ =	vpop (xrf2);
	(xrf2) =	vadd.scan.msk.f32 $0xffff, v50  }
0x284: {  	v55 =	vld [tilespmem:s22+$0x10];
	v10, _, _ =	vpop (xrf2);
	(xrf2) =	vadd.scan.msk.f32 $0xffff, v51  }
0x285: {  	v56 =	vld [tilespmem:s22+$0x20];
	v11, _, _ =	vpop (xrf2);
	(xrf2) =	vadd.scan.msk.f32 $0xffff, v52  }
0x286: {  	v57 =	vld [tilespmem:s22+$0x30];
	v12, _, _ =	vpop (xrf2);
	(xrf2) =	vadd.scan.msk.f32 $0xffff, v53  }
0x287: {  	v13, _, _ =	vpop (xrf2);
	(xrf2) =	vadd.scan.msk.f32 $0xffff, v3;
	v3 =	vld [tilespmem:s22+$0x40]  }
0x288: {  	v58 =	vld [tilespmem:s22+$0x50];
	v14, _, _ =	vpop (xrf2);
	(xrf2) =	vadd.scan.msk.f32 $0xffff, v54  }
0x289: {  	v59 =	vld [tilespmem:s22+$0x60];
	v15, _, _ =	vpop (xrf2);
	(xrf2) =	vadd.scan.msk.f32 $0xffff, v55  }
0x28a: {  	v60 =	vld [tilespmem:s22+$0x70];
	v16, _, _ =	vpop (xrf2);
	(xrf2) =	vadd.scan.msk.f32 $0xffff, v56  }
0x28b: {  	v61 =	vld [tilespmem:s22+$0x80];
	v17, _, _ =	vpop (xrf2);
	(xrf2) =	vadd.scan.msk.f32 $0xffff, v57  }
0x28c: {  	v18, _, _ =	vpop (xrf2);
	(xrf2) =	vadd.scan.msk.f32 $0xffff, v3;
	v3 =	vld [tilespmem:s22+$0x90]  }
0x28d: {  	v62 =	vld [tilespmem:s22+$0xA0];
	v8 =	vbroadcast v8, $0xF;
	v9 =	vbroadcast v9, $0xF;
	v19, _, _ =	vpop (xrf2);
	(xrf2) =	vadd.scan.msk.f32 $0xffff, v58  }
0x28e: {  	v63 =	vld [tilespmem:s22+$0xB0];
	v10 =	vbroadcast v10, $0xF;
	v20, _, _ =	vpop (xrf2);
	(xrf2) =	vadd.scan.msk.f32 $0xffff, v59  }
0x28f: {  	v23 =	vld [tilespmem:s22+$0xC0];
	v8 =	vsel vm0, v8, v9;
	v21 =	vbroadcast v11, $0xF;
	v22, _, _ =	vpop (xrf2);
	(xrf2) =	vadd.scan.msk.f32 $0xffff, v60  }
0x290: {  	v26 =	vld [tilespmem:s22+$0xD0];
	v8 =	vsel vm1, v8, v10;
	v24 =	vbroadcast v12, $0xF;
	v25, _, _ =	vpop (xrf2);
	(xrf2) =	vadd.scan.msk.f32 $0xffff, v61  }
0x291: {  	v8 =	vsel vm2, v8, v21;
	v27 =	vbroadcast v13, $0xF;
	v28, _, _ =	vpop (xrf2);
	(xrf2) =	vadd.scan.msk.f32 $0xffff, v3;
	v3 =	vld [tilespmem:s22+$0xE0]  }
0x292: {  	v8 =	vsel vm3, v8, v24;
	v30 =	vbroadcast v14, $0xF;
	v29, _, _ =	vpop (xrf2);
	(xrf2) =	vadd.scan.msk.f32 $0xffff, v62  }
0x293: {  	v8 =	vsel vm4, v8, v27;
	v32 =	vbroadcast v15, $0xF;
	v31, _, _ =	vpop (xrf2);
	(xrf2) =	vadd.scan.msk.f32 $0xffff, v63  }
0x294: {  	v36 =	vld [tilespmem:s22+$0xF0];
	v4 =	vsel vm5, v8, v30;
	v34 =	vbroadcast v29, $0xF;
	v9 =	vbroadcast v31, $0xF;
	v35, _, _ =	vpop (xrf2);
	(xrf2) =	vadd.scan.msk.f32 $0xffff, v23  }
0x295: {  	v33 =	vbroadcast v16, $0xF;
	v4 =	vsel vm6, v4, v32;
	v37, _, _ =	vpop (xrf2);
	(xrf2) =	vadd.scan.msk.f32 $0xffff, v26;
	v38 =	vbroadcast v35, $0xF  }
0x296: {  	v40 =	vbroadcast v17, $0xF;
	v8 =	vsel vm0, v34, v9;
	v5 =	vbroadcast v37, $0xF;
	v39, _, _ =	vpop (xrf2);
	(xrf2) =	vadd.scan.msk.f32 $0xffff, v3  }
0x297: {  	v4 =	vsel vm7, v4, v33;
	v3, _, _ =	vpop (xrf2);
	v7 =	vsel vm1, v8, v38;
	v41 =	vbroadcast v39, $0xF  }
0x298: {  	v43 =	vbroadcast v18, $0xF;
	v42, _, _ =	vpop (xrf2);
	v5 =	vsel vm2, v7, v5;
	v3 =	vbroadcast v3, $0xF  }
0x299: {  	v4 =	vsel vm8, v4, v40;
	(xrf2) =	vadd.scan.msk.f32 $0xffff, v36;
	v5 =	vsel vm3, v5, v41;
	v44 =	vbroadcast v42, $0xF;
	v45, _, _ =	vpop (xrf2)  }
0x29a: {  	v49 =	vbroadcast v19, $0xF;
	v46, _, _ =	vpop (xrf2);
	v3 =	vsel vm4, v5, v3;
	v47 =	vbroadcast v45, $0xF  }
0x29b: {  	v4 =	vsel vm9, v4, v43;
	v48, _, _ =	vpop (xrf2);
	v3 =	vsel vm5, v3, v44;
	v6 =	vbroadcast v46, $0xF  }
0x29c: {  	v51 =	vbroadcast v20, $0xF;
	v50, _, _ =	vpop (xrf2);
	v3 =	vsel vm6, v3, v47;
	v52 =	vbroadcast v48, $0xF  }
0x29d: {  	v4 =	vsel vm10, v4, v49;
	v53, _, _ =	vpop (xrf2);
	v3 =	vsel vm7, v3, v6;
	v54 =	vbroadcast v50, $0xF  }
0x29e: {  	v58 =	vbroadcast v22, $0xF;
	v55, _, _ =	vpop (xrf2);
	v3 =	vsel vm8, v3, v52;
	v56 =	vbroadcast v53, $0xF  }
0x29f: {  	s23 =	sadd.s32 $0x2, s23;
	v4 =	vsel vm11, v4, v51;
	v57, _, _ =	vpop (xrf2);
	v3 =	vsel vm9, v3, v54;
	v59 =	vbroadcast v55, $0xF  }
0x2a0: {  	p0 =	slt.u32 s23, $0xE;
	v61 =	vbroadcast v25, $0xF;
	v60, _, _ =	vpop (xrf2);
	v3 =	vsel vm10, v3, v56;
	v7 =	vbroadcast v57, $0xF  }
.Ltmp9:
0x2a1: {  	v4 =	vsel vm12, v4, v58;
	v3 =	vsel vm11, v3, v59;
	v62 =	vbroadcast v60, $0xF;
	(pc) =	sbr.rel @p0 .LBB2_20-.Ltmp9, $4  }
0x2a2: {  	v4 =	vsel vm13, v4, v61;
	v3 =	vsel vm12, v3, v7  }
0x2a3: {  	v4 =	vsel vm14, v4, v28;
	v63, _, _ =	vpop (xrf2);
	v3 =	vsel vm13, v3, v62  }
0x2a4: {  	[tilespmem:s24+$0xFFFFFFF0] =	vst v4;
	v3 =	vsel vm14, v3, v63  }
0x2a5: {  	s22 =	sadd.s32 $0x200, s22;
	[tilespmem:s24+$0x0] =	vst v3;
	s24 =	sadd.s32 $0x20, s24  }
0x2a6: {  	s21 =	sadd.s32 $0x1, s21  }
0x2a7: {  	p0 =	sne.s32 s21, s12  }
.Ltmp10:
0x2a8: {  	_ = 	snop;
	(pc) =	sbr.rel @p0 .LBB2_1-.Ltmp10, $4  }
0x2a9: {  	[hbm4b:s11+s17] =	stream.strided.scatter [tilespmem:s19], [sflag:$0x3], $0x100, s18, s17, $0x38;
	[tilespmem:$0x5100] =	vst v63  }
0x2aa: {  	_ =	swait.ge [sflag:s20], $0x100  }
0x2ab: {  	[sflag:s20] =	ssyncset.done $0x0  }
0x2ac: {  	[sflag:s20] =	ssyncadd.s32 $0xFFFFFF00  }
0x2ad: {  	_ =	sfence.sel $0x180000  }
0x2ae: {  	[bflag:$0x0] =	sbarrier.arrive $0xFFFF  }
0x2af: {  	p0 =	sne.s32 s0, $0x0;
	_ =	strace $0x90000047  }
0x2b0: {  	s0 =	sadd.s32 @!p0 $0x100000, s1;
	[bflag:$0x2] =	sbarrier.arrive $0xFFFF  }
0x2b1: {  	[sflag:s0] =	ssyncadd.tile.s32 @!p0 $0x1;
	_ =	shalt  }
.Lfunc_end2:
_tile_overlayer_lowered:
.L_overlay_start_2:
0x2b2: {  	(tag) =	ssettag $0x2  }
0x2b3: {  	s0 =	rddreg [dreg:$0x0];
	s2 =	stileid.u32  }
0x2b4: {  	s1 =	rddreg [dreg:$0x1];
	p0 =	sne.s32 s2, $0x0  }
0x2b5: {  	s3 =	rddreg [dreg:$0x2];
	[bflag:$0x3] =	sbarrier.arrive $0xFFFF;
	s2 =	simm.s32 @!p0 $0x1C03  }
0x2b6: {  	[timem:s3], [sflag:s2] =	dma.local @!p0 [hbm:s0], s1  }
0x2b7: {  	s0 =	simm.s32 @!p0 $0x3  }
0x2b8: {  	_ =	swait.ge @!p0 [sflag:s0], s1  }
0x2b9: {  	s1 =	ssub.s32 @!p0 $0x0, s1;
	[sflag:s0] =	ssyncset.done @!p0 $0x0  }
0x2ba: {  	[sflag:s0] =	ssyncadd.s32 @!p0 s1  }
0x2bb: {  	[bflag:$0x3] =	sbarrier.arrive $0xFFFF  }
0x2bc: {  	_ =	shalt  }

</sc_bundles>
